<compile_context>
chip_gen: v7x
topology: tpu7x:2x2x1
jax: 0.10.2.dev20260603
libtpu: 0.0.44.dev20260713+nightly
codegen_flags: <defaults>
</compile_context>

<pallas_src>
import functools

import jax
import jax.numpy as jnp
from jax import lax
from jax.experimental import pallas as pl
from jax.experimental.pallas import tpu as pltpu
from jax.experimental.pallas import tpu_sc as plsc

D = 64
B = 4096
L = 200
N = B * L
NC, NS = 2, 16
NW = NC * NS
PER_W = N // NW
CHUNK = 128
NCHUNK = PER_W // CHUNK
NBUF = 8
PF = 4
ROUNDS = NCHUNK // NBUF


@functools.partial(
    pl.kernel,
    mesh=plsc.VectorSubcoreMesh(core_axis_name="c", subcore_axis_name="s"),
    out_type=jax.ShapeDtypeStruct((N, D), jnp.float32),
    scratch_types=[
        pltpu.VMEM((NCHUNK, CHUNK), jnp.int32),
        pltpu.VMEM((NBUF, CHUNK, D), jnp.float32),
    ]
    + [pltpu.SemaphoreType.DMA] * (2 * NBUF),
    compiler_params=pltpu.CompilerParams(use_tc_tiling_on_sc=False),
)
def _gather_kernel(idx_hbm, table_hbm, out_hbm, idx_v, bufs, *sems):
    gsem = sems[:NBUF]
    ssem = sems[NBUF:]
    wid = lax.axis_index("s") * NC + lax.axis_index("c")
    base = wid * PER_W

    pltpu.sync_copy(idx_hbm.at[wid], idx_v)

    for b in range(PF):
        pltpu.async_copy(table_hbm.at[idx_v.at[b]], bufs.at[b], gsem[b])

    def round_body(g, carry):
        for b in range(NBUF):
            c = g * NBUF + b
            bp = (b + PF) % NBUF

            @pl.when(c + PF < NCHUNK)
            def _():
                @pl.when(c >= NBUF - PF)
                def _():
                    pltpu.make_async_copy(
                        bufs.at[bp], out_hbm.at[pl.ds(base, CHUNK)], ssem[bp]
                    ).wait()

                pltpu.async_copy(
                    table_hbm.at[idx_v.at[c + PF]], bufs.at[bp], gsem[bp]
                )

            pltpu.make_async_copy(
                table_hbm.at[idx_v.at[0]], bufs.at[b], gsem[b]
            ).wait()
            pltpu.async_copy(
                bufs.at[b], out_hbm.at[pl.ds(base + c * CHUNK, CHUNK)], ssem[b]
            )

        return carry

    lax.fori_loop(0, ROUNDS, round_body, 0)

    for b in range(NBUF):
        pltpu.make_async_copy(
            bufs.at[b], out_hbm.at[pl.ds(base, CHUNK)], ssem[b]
        ).wait()


def kernel(entity_pairs, table):
    idx = entity_pairs[:, :, 0].reshape(NW, NCHUNK, CHUNK)
    out = _gather_kernel(idx, table)
    return out.reshape(B, L, D)

# --- scband reference (transcript-rebuilt; emitter-appended) ---
"""Pipeline reference for scband-emodel-entity-encoder-45397804318889 (READ-ONLY COPY).

The authoritative reference and input builder live on the scoring server;
editing this copy changes nothing except your own understanding.
"""

import jax, jax.numpy as jnp
import numpy as np

NUM_ENTITIES = 1000000
EMBED_DIM = 64
B = 4096
L = 200
OUR_ENTITY_INDEX = 0  # 'subject'


def setup_inputs(seed: int = 0) -> dict:
    key = jax.random.key(seed)
    k1, k2 = jax.random.split(key)
    entity_pairs = jax.random.randint(k1, (B, L, 2), 0, NUM_ENTITIES, dtype=jnp.int32)
    table = jax.random.normal(k2, (NUM_ENTITIES, EMBED_DIM), dtype=jnp.float32)
    # padding_idx=0 semantics of nn.Embedding: row 0 initialized to zeros
    table = table.at[0].set(0.0)
    return {"entity_pairs": entity_pairs, "table": table}


def reference(entity_pairs, table):
    # entities = entity_pairs[:, :, self.ourEntityIndex]
    entities = entity_pairs[:, :, OUR_ENTITY_INDEX]
    # embeddings = self.entity_embedding(entities)
    embeddings = jnp.take(table, entities, axis=0)
    # only_seen_neighbours=False (default), entity_encoder is None -> return embeddings
    return embeddings

if __name__ == "__main__":
    import jax
    _d = setup_inputs()
    print(jax.jit(kernel)(*tuple(_d.values())))

</pallas_src>

<mosaic_0001>
#map = affine_map<(d0, d1) -> (0, 0, 0)>
#map1 = affine_map<(d0, d1) -> (0, 0)>
module attributes {stable_mosaic.version = 14 : i64} {
  func.func @_gather_kernel(%arg0: i32, %arg1: i32, %arg2: memref<32x200x128xi32, #tpu.memory_space<hbm>>, %arg3: memref<1000000x64xf32, #tpu.memory_space<hbm>>, %arg4: memref<819200x64xf32, #tpu.memory_space<hbm>>, %arg5: memref<200x128xi32, #tpu.memory_space<vmem>>, %arg6: memref<8x128x64xf32, #tpu.memory_space<vmem>>, %arg7: memref<!tpu.dma_semaphore, #tpu.memory_space<semaphore_mem>>, %arg8: memref<!tpu.dma_semaphore, #tpu.memory_space<semaphore_mem>>, %arg9: memref<!tpu.dma_semaphore, #tpu.memory_space<semaphore_mem>>, %arg10: memref<!tpu.dma_semaphore, #tpu.memory_space<semaphore_mem>>, %arg11: memref<!tpu.dma_semaphore, #tpu.memory_space<semaphore_mem>>, %arg12: memref<!tpu.dma_semaphore, #tpu.memory_space<semaphore_mem>>, %arg13: memref<!tpu.dma_semaphore, #tpu.memory_space<semaphore_mem>>, %arg14: memref<!tpu.dma_semaphore, #tpu.memory_space<semaphore_mem>>, %arg15: memref<!tpu.dma_semaphore, #tpu.memory_space<semaphore_mem>>, %arg16: memref<!tpu.dma_semaphore, #tpu.memory_space<semaphore_mem>>, %arg17: memref<!tpu.dma_semaphore, #tpu.memory_space<semaphore_mem>>, %arg18: memref<!tpu.dma_semaphore, #tpu.memory_space<semaphore_mem>>, %arg19: memref<!tpu.dma_semaphore, #tpu.memory_space<semaphore_mem>>, %arg20: memref<!tpu.dma_semaphore, #tpu.memory_space<semaphore_mem>>, %arg21: memref<!tpu.dma_semaphore, #tpu.memory_space<semaphore_mem>>, %arg22: memref<!tpu.dma_semaphore, #tpu.memory_space<semaphore_mem>>) attributes {dimension_semantics = [#tpu.dimension_semantics<core_parallel>, #tpu.dimension_semantics<subcore_parallel>], iteration_bounds = array<i64: 2, 16>, scalar_prefetch = 0 : i64, scratch_operands = 18 : i64, tpu.core_type = #tpu.core_type<sc_vector_subcore>, window_params = [{transform_indices = #map}, {transform_indices = #map1}, {transform_indices = #map1}]} {
    %mul3A = arith.constant 2 : i32
    %mul3A_0 = arith.muli %arg1, %mul3A : i32
    %add3A = arith.addi %mul3A_0, %arg0 : i32
    %mul3A_1 = arith.constant 25600 : i32
    %mul3A_2 = arith.muli %add3A, %mul3A_1 : i32
    "tpu.region"() ({
      %run_scoped3A = tpu.sem_alloc : memref<!tpu.dma_semaphore, #tpu.memory_space<semaphore_mem>>
      %dma_start3A_158 = arith.constant 0 : i32
      %dma_start3A_159 = arith.constant 0 : i32
      %dma_start3A_160 = tpu.memref_slice %arg2[%add3A, %dma_start3A_158, %dma_start3A_159] : memref<32x200x128xi32, #tpu.memory_space<hbm>> -> memref<1x200x128xi32, #tpu.memory_space<hbm>>
      %dma_start3A_161 = tpu.memref_squeeze %dma_start3A_160 : memref<1x200x128xi32, #tpu.memory_space<hbm>> -> memref<200x128xi32, #tpu.memory_space<hbm>>
      %dma_start3A_162 = arith.constant 0 : i32
      %dma_start3A_163 = arith.constant 0 : i32
      %dma_start3A_164 = tpu.memref_slice %arg2[%add3A, %dma_start3A_162, %dma_start3A_163] : memref<32x200x128xi32, #tpu.memory_space<hbm>> -> memref<1x200x128xi32, #tpu.memory_space<hbm>>
      %dma_start3A_165 = tpu.memref_squeeze %dma_start3A_164 : memref<1x200x128xi32, #tpu.memory_space<hbm>> -> memref<200x128xi32, #tpu.memory_space<hbm>>
      tpu.enqueue_dma source(%dma_start3A_165 : memref<200x128xi32, #tpu.memory_space<hbm>>) target(%arg5 : memref<200x128xi32, #tpu.memory_space<vmem>>) target_semaphore(%run_scoped3A : memref<!tpu.dma_semaphore, #tpu.memory_space<semaphore_mem>>)
      %dma_wait3A_166 = arith.constant 0 : i32
      %dma_wait3A_167 = arith.constant 0 : i32
      %dma_wait3A_168 = tpu.memref_slice %arg2[%add3A, %dma_wait3A_166, %dma_wait3A_167] : memref<32x200x128xi32, #tpu.memory_space<hbm>> -> memref<1x200x128xi32, #tpu.memory_space<hbm>>
      %dma_wait3A_169 = tpu.memref_squeeze %dma_wait3A_168 : memref<1x200x128xi32, #tpu.memory_space<hbm>> -> memref<200x128xi32, #tpu.memory_space<hbm>>
      %dma_wait3A_170 = arith.constant 0 : i32
      %dma_wait3A_171 = arith.constant 0 : i32
      %dma_wait3A_172 = tpu.memref_slice %arg2[%add3A, %dma_wait3A_170, %dma_wait3A_171] : memref<32x200x128xi32, #tpu.memory_space<hbm>> -> memref<1x200x128xi32, #tpu.memory_space<hbm>>
      %dma_wait3A_173 = tpu.memref_squeeze %dma_wait3A_172 : memref<1x200x128xi32, #tpu.memory_space<hbm>> -> memref<200x128xi32, #tpu.memory_space<hbm>>
      tpu.wait_dma2 semaphore(%run_scoped3A : memref<!tpu.dma_semaphore, #tpu.memory_space<semaphore_mem>>) src(%dma_wait3A_173 : memref<200x128xi32, #tpu.memory_space<hbm>>) dst(%arg5 : memref<200x128xi32, #tpu.memory_space<vmem>>)
      tpu.yield
    }) : () -> ()
    %dma_start3A = arith.constant 0 : i32
    %dma_start3A_3 = arith.constant 0 : i32
    %dma_start3A_4 = arith.constant 0 : i32
    %dma_start3A_5 = arith.constant 0 : i32
    %dma_start3A_6 = tpu.memref_slice %arg6[%dma_start3A_3, %dma_start3A_4, %dma_start3A_5] : memref<8x128x64xf32, #tpu.memory_space<vmem>> -> memref<1x128x64xf32, #tpu.memory_space<vmem>>
    %dma_start3A_7 = tpu.memref_squeeze %dma_start3A_6 : memref<1x128x64xf32, #tpu.memory_space<vmem>> -> memref<128x64xf32, #tpu.memory_space<vmem>>
    %dma_start3A_8 = arith.constant 0 : i32
    %dma_start3A_9 = tpu.memref_slice %arg5[%dma_start3A, %dma_start3A_8] : memref<200x128xi32, #tpu.memory_space<vmem>> -> memref<1x128xi32, #tpu.memory_space<vmem>>
    %dma_start3A_10 = tpu.memref_squeeze %dma_start3A_9 : memref<1x128xi32, #tpu.memory_space<vmem>> -> memref<128xi32, #tpu.memory_space<vmem>>
    %dma_start3A_11 = arith.constant 0 : i32
    %dma_start3A_12 = arith.constant 0 : i32
    %dma_start3A_13 = tpu.memref_slice %arg3[%dma_start3A_11, %dma_start3A_12] : memref<1000000x64xf32, #tpu.memory_space<hbm>> -> memref<1000000x64xf32, #tpu.memory_space<hbm>>
    tpu.enqueue_indirect_dma source(%dma_start3A_13 : memref<1000000x64xf32, #tpu.memory_space<hbm>>) target(%dma_start3A_7 : memref<128x64xf32, #tpu.memory_space<vmem>>) offsets(%dma_start3A_10 : memref<128xi32, #tpu.memory_space<vmem>>) semaphore(%arg7 : memref<!tpu.dma_semaphore, #tpu.memory_space<semaphore_mem>>)
    %dma_start3A_14 = arith.constant 1 : i32
    %dma_start3A_15 = arith.constant 1 : i32
    %dma_start3A_16 = arith.constant 0 : i32
    %dma_start3A_17 = arith.constant 0 : i32
    %dma_start3A_18 = tpu.memref_slice %arg6[%dma_start3A_15, %dma_start3A_16, %dma_start3A_17] : memref<8x128x64xf32, #tpu.memory_space<vmem>> -> memref<1x128x64xf32, #tpu.memory_space<vmem>>
    %dma_start3A_19 = tpu.memref_squeeze %dma_start3A_18 : memref<1x128x64xf32, #tpu.memory_space<vmem>> -> memref<128x64xf32, #tpu.memory_space<vmem>>
    %dma_start3A_20 = arith.constant 0 : i32
    %dma_start3A_21 = tpu.memref_slice %arg5[%dma_start3A_14, %dma_start3A_20] : memref<200x128xi32, #tpu.memory_space<vmem>> -> memref<1x128xi32, #tpu.memory_space<vmem>>
    %dma_start3A_22 = tpu.memref_squeeze %dma_start3A_21 : memref<1x128xi32, #tpu.memory_space<vmem>> -> memref<128xi32, #tpu.memory_space<vmem>>
    %dma_start3A_23 = arith.constant 0 : i32
    %dma_start3A_24 = arith.constant 0 : i32
    %dma_start3A_25 = tpu.memref_slice %arg3[%dma_start3A_23, %dma_start3A_24] : memref<1000000x64xf32, #tpu.memory_space<hbm>> -> memref<1000000x64xf32, #tpu.memory_space<hbm>>
    tpu.enqueue_indirect_dma source(%dma_start3A_25 : memref<1000000x64xf32, #tpu.memory_space<hbm>>) target(%dma_start3A_19 : memref<128x64xf32, #tpu.memory_space<vmem>>) offsets(%dma_start3A_22 : memref<128xi32, #tpu.memory_space<vmem>>) semaphore(%arg8 : memref<!tpu.dma_semaphore, #tpu.memory_space<semaphore_mem>>)
    %dma_start3A_26 = arith.constant 2 : i32
    %dma_start3A_27 = arith.constant 2 : i32
    %dma_start3A_28 = arith.constant 0 : i32
    %dma_start3A_29 = arith.constant 0 : i32
    %dma_start3A_30 = tpu.memref_slice %arg6[%dma_start3A_27, %dma_start3A_28, %dma_start3A_29] : memref<8x128x64xf32, #tpu.memory_space<vmem>> -> memref<1x128x64xf32, #tpu.memory_space<vmem>>
    %dma_start3A_31 = tpu.memref_squeeze %dma_start3A_30 : memref<1x128x64xf32, #tpu.memory_space<vmem>> -> memref<128x64xf32, #tpu.memory_space<vmem>>
    %dma_start3A_32 = arith.constant 0 : i32
    %dma_start3A_33 = tpu.memref_slice %arg5[%dma_start3A_26, %dma_start3A_32] : memref<200x128xi32, #tpu.memory_space<vmem>> -> memref<1x128xi32, #tpu.memory_space<vmem>>
    %dma_start3A_34 = tpu.memref_squeeze %dma_start3A_33 : memref<1x128xi32, #tpu.memory_space<vmem>> -> memref<128xi32, #tpu.memory_space<vmem>>
    %dma_start3A_35 = arith.constant 0 : i32
    %dma_start3A_36 = arith.constant 0 : i32
    %dma_start3A_37 = tpu.memref_slice %arg3[%dma_start3A_35, %dma_start3A_36] : memref<1000000x64xf32, #tpu.memory_space<hbm>> -> memref<1000000x64xf32, #tpu.memory_space<hbm>>
    tpu.enqueue_indirect_dma source(%dma_start3A_37 : memref<1000000x64xf32, #tpu.memory_space<hbm>>) target(%dma_start3A_31 : memref<128x64xf32, #tpu.memory_space<vmem>>) offsets(%dma_start3A_34 : memref<128xi32, #tpu.memory_space<vmem>>) semaphore(%arg9 : memref<!tpu.dma_semaphore, #tpu.memory_space<semaphore_mem>>)
    %dma_start3A_38 = arith.constant 3 : i32
    %dma_start3A_39 = arith.constant 3 : i32
    %dma_start3A_40 = arith.constant 0 : i32
    %dma_start3A_41 = arith.constant 0 : i32
    %dma_start3A_42 = tpu.memref_slice %arg6[%dma_start3A_39, %dma_start3A_40, %dma_start3A_41] : memref<8x128x64xf32, #tpu.memory_space<vmem>> -> memref<1x128x64xf32, #tpu.memory_space<vmem>>
    %dma_start3A_43 = tpu.memref_squeeze %dma_start3A_42 : memref<1x128x64xf32, #tpu.memory_space<vmem>> -> memref<128x64xf32, #tpu.memory_space<vmem>>
    %dma_start3A_44 = arith.constant 0 : i32
    %dma_start3A_45 = tpu.memref_slice %arg5[%dma_start3A_38, %dma_start3A_44] : memref<200x128xi32, #tpu.memory_space<vmem>> -> memref<1x128xi32, #tpu.memory_space<vmem>>
    %dma_start3A_46 = tpu.memref_squeeze %dma_start3A_45 : memref<1x128xi32, #tpu.memory_space<vmem>> -> memref<128xi32, #tpu.memory_space<vmem>>
    %dma_start3A_47 = arith.constant 0 : i32
    %dma_start3A_48 = arith.constant 0 : i32
    %dma_start3A_49 = tpu.memref_slice %arg3[%dma_start3A_47, %dma_start3A_48] : memref<1000000x64xf32, #tpu.memory_space<hbm>> -> memref<1000000x64xf32, #tpu.memory_space<hbm>>
    tpu.enqueue_indirect_dma source(%dma_start3A_49 : memref<1000000x64xf32, #tpu.memory_space<hbm>>) target(%dma_start3A_43 : memref<128x64xf32, #tpu.memory_space<vmem>>) offsets(%dma_start3A_46 : memref<128xi32, #tpu.memory_space<vmem>>) semaphore(%arg10 : memref<!tpu.dma_semaphore, #tpu.memory_space<semaphore_mem>>)
    %scan3A = arith.constant 0 : i32
    %scan3A_50 = arith.constant 0 : i32
    %scan3A_51 = arith.constant 25 : i32
    %scan3A_52 = arith.addi %scan3A_50, %scan3A_51 : i32
    %scan3A_53 = arith.constant 1 : i32
    scf.for %scan3A_158 = %scan3A_50 to %scan3A_52 step %scan3A_53  : i32 {
      %mul3A_159 = arith.constant 8 : i32
      %mul3A_160 = arith.muli %scan3A_158, %mul3A_159 : i32
      %add3A_161 = arith.constant 0 : i32
      %add3A_162 = arith.addi %mul3A_160, %add3A_161 : i32
      %add3A_163 = arith.constant 4 : i32
      %add3A_164 = arith.addi %add3A_162, %add3A_163 : i32
      %lt3A = arith.constant 200 : i32
      %lt3A_165 = arith.cmpi slt, %add3A_164, %lt3A : i32
      %convert_element_type3A = arith.extui %lt3A_165 : i1 to i32
      %cond3A = arith.constant 0 : i32
      %cond3A_166 = arith.cmpi ne, %convert_element_type3A, %cond3A : i32
      scf.if %cond3A_166 {
        %ge3A = arith.constant 4 : i32
        %ge3A_468 = arith.cmpi sge, %add3A_162, %ge3A : i32
        %convert_element_type3A_469 = arith.extui %ge3A_468 : i1 to i32
        %cond3A_470 = arith.constant 0 : i32
        %cond3A_471 = arith.cmpi ne, %convert_element_type3A_469, %cond3A_470 : i32
        scf.if %cond3A_471 {
          %dma_wait3A_485 = arith.constant 4 : i32
          %dma_wait3A_486 = arith.constant 0 : i32
          %dma_wait3A_487 = arith.constant 0 : i32
          %dma_wait3A_488 = tpu.memref_slice %arg6[%dma_wait3A_485, %dma_wait3A_486, %dma_wait3A_487] : memref<8x128x64xf32, #tpu.memory_space<vmem>> -> memref<1x128x64xf32, #tpu.memory_space<vmem>>
          %dma_wait3A_489 = tpu.memref_squeeze %dma_wait3A_488 : memref<1x128x64xf32, #tpu.memory_space<vmem>> -> memref<128x64xf32, #tpu.memory_space<vmem>>
          %dma_wait3A_490 = arith.constant 0 : i32
          %dma_wait3A_491 = tpu.memref_slice %arg4[%mul3A_2, %dma_wait3A_490] : memref<819200x64xf32, #tpu.memory_space<hbm>> -> memref<128x64xf32, #tpu.memory_space<hbm>>
          %dma_wait3A_492 = arith.constant 0 : i32
          %dma_wait3A_493 = tpu.memref_slice %arg4[%mul3A_2, %dma_wait3A_492] : memref<819200x64xf32, #tpu.memory_space<hbm>> -> memref<128x64xf32, #tpu.memory_space<hbm>>
          %dma_wait3A_494 = arith.constant 0 : i32
          %dma_wait3A_495 = arith.constant 0 : i32
          %dma_wait3A_496 = tpu.memref_slice %arg6[%dma_wait3A_485, %dma_wait3A_494, %dma_wait3A_495] : memref<8x128x64xf32, #tpu.memory_space<vmem>> -> memref<1x128x64xf32, #tpu.memory_space<vmem>>
          %dma_wait3A_497 = tpu.memref_squeeze %dma_wait3A_496 : memref<1x128x64xf32, #tpu.memory_space<vmem>> -> memref<128x64xf32, #tpu.memory_space<vmem>>
          tpu.wait_dma2 semaphore(%arg19 : memref<!tpu.dma_semaphore, #tpu.memory_space<semaphore_mem>>) src(%dma_wait3A_497 : memref<128x64xf32, #tpu.memory_space<vmem>>) dst(%dma_wait3A_493 : memref<128x64xf32, #tpu.memory_space<hbm>>)
        } else {
        }
        %add3A_472 = arith.constant 4 : i32
        %add3A_473 = arith.addi %add3A_162, %add3A_472 : i32
        %dma_start3A_474 = arith.constant 4 : i32
        %dma_start3A_475 = arith.constant 0 : i32
        %dma_start3A_476 = arith.constant 0 : i32
        %dma_start3A_477 = tpu.memref_slice %arg6[%dma_start3A_474, %dma_start3A_475, %dma_start3A_476] : memref<8x128x64xf32, #tpu.memory_space<vmem>> -> memref<1x128x64xf32, #tpu.memory_space<vmem>>
        %dma_start3A_478 = tpu.memref_squeeze %dma_start3A_477 : memref<1x128x64xf32, #tpu.memory_space<vmem>> -> memref<128x64xf32, #tpu.memory_space<vmem>>
        %dma_start3A_479 = arith.constant 0 : i32
        %dma_start3A_480 = tpu.memref_slice %arg5[%add3A_473, %dma_start3A_479] : memref<200x128xi32, #tpu.memory_space<vmem>> -> memref<1x128xi32, #tpu.memory_space<vmem>>
        %dma_start3A_481 = tpu.memref_squeeze %dma_start3A_480 : memref<1x128xi32, #tpu.memory_space<vmem>> -> memref<128xi32, #tpu.memory_space<vmem>>
        %dma_start3A_482 = arith.constant 0 : i32
        %dma_start3A_483 = arith.constant 0 : i32
        %dma_start3A_484 = tpu.memref_slice %arg3[%dma_start3A_482, %dma_start3A_483] : memref<1000000x64xf32, #tpu.memory_space<hbm>> -> memref<1000000x64xf32, #tpu.memory_space<hbm>>
        tpu.enqueue_indirect_dma source(%dma_start3A_484 : memref<1000000x64xf32, #tpu.memory_space<hbm>>) target(%dma_start3A_478 : memref<128x64xf32, #tpu.memory_space<vmem>>) offsets(%dma_start3A_481 : memref<128xi32, #tpu.memory_space<vmem>>) semaphore(%arg11 : memref<!tpu.dma_semaphore, #tpu.memory_space<semaphore_mem>>)
      } else {
      }
      %dma_wait3A_167 = arith.constant 0 : i32
      %dma_wait3A_168 = arith.constant 0 : i32
      %dma_wait3A_169 = arith.constant 0 : i32
      %dma_wait3A_170 = arith.constant 0 : i32
      %dma_wait3A_171 = tpu.memref_slice %arg6[%dma_wait3A_168, %dma_wait3A_169, %dma_wait3A_170] : memref<8x128x64xf32, #tpu.memory_space<vmem>> -> memref<1x128x64xf32, #tpu.memory_space<vmem>>
      %dma_wait3A_172 = tpu.memref_squeeze %dma_wait3A_171 : memref<1x128x64xf32, #tpu.memory_space<vmem>> -> memref<128x64xf32, #tpu.memory_space<vmem>>
      %dma_wait3A_173 = arith.constant 0 : i32
      %dma_wait3A_174 = tpu.memref_slice %arg5[%dma_wait3A_167, %dma_wait3A_173] : memref<200x128xi32, #tpu.memory_space<vmem>> -> memref<1x128xi32, #tpu.memory_space<vmem>>
      %dma_wait3A_175 = tpu.memref_squeeze %dma_wait3A_174 : memref<1x128xi32, #tpu.memory_space<vmem>> -> memref<128xi32, #tpu.memory_space<vmem>>
      %dma_wait3A_176 = arith.constant 0 : i32
      %dma_wait3A_177 = arith.constant 0 : i32
      %dma_wait3A_178 = tpu.memref_slice %arg3[%dma_wait3A_176, %dma_wait3A_177] : memref<1000000x64xf32, #tpu.memory_space<hbm>> -> memref<1000000x64xf32, #tpu.memory_space<hbm>>
      tpu.wait_indirect_dma semaphore(%arg7 : memref<!tpu.dma_semaphore, #tpu.memory_space<semaphore_mem>>) src(%dma_wait3A_178 : memref<1000000x64xf32, #tpu.memory_space<hbm>>) dst(%dma_wait3A_172 : memref<128x64xf32, #tpu.memory_space<vmem>>)
      %mul3A_179 = arith.constant 128 : i32
      %mul3A_180 = arith.muli %add3A_162, %mul3A_179 : i32
      %add3A_181 = arith.addi %mul3A_2, %mul3A_180 : i32
      %dma_start3A_182 = arith.constant 0 : i32
      %dma_start3A_183 = arith.constant 0 : i32
      %dma_start3A_184 = arith.constant 0 : i32
      %dma_start3A_185 = tpu.memref_slice %arg6[%dma_start3A_182, %dma_start3A_183, %dma_start3A_184] : memref<8x128x64xf32, #tpu.memory_space<vmem>> -> memref<1x128x64xf32, #tpu.memory_space<vmem>>
      %dma_start3A_186 = tpu.memref_squeeze %dma_start3A_185 : memref<1x128x64xf32, #tpu.memory_space<vmem>> -> memref<128x64xf32, #tpu.memory_space<vmem>>
      %dma_start3A_187 = arith.constant 0 : i32
      %dma_start3A_188 = tpu.memref_slice %arg4[%add3A_181, %dma_start3A_187] : memref<819200x64xf32, #tpu.memory_space<hbm>> -> memref<128x64xf32, #tpu.memory_space<hbm>>
      %dma_start3A_189 = arith.constant 0 : i32
      %dma_start3A_190 = tpu.memref_slice %arg4[%add3A_181, %dma_start3A_189] : memref<819200x64xf32, #tpu.memory_space<hbm>> -> memref<128x64xf32, #tpu.memory_space<hbm>>
      %dma_start3A_191 = arith.constant 0 : i32
      %dma_start3A_192 = arith.constant 0 : i32
      %dma_start3A_193 = tpu.memref_slice %arg6[%dma_start3A_182, %dma_start3A_191, %dma_start3A_192] : memref<8x128x64xf32, #tpu.memory_space<vmem>> -> memref<1x128x64xf32, #tpu.memory_space<vmem>>
      %dma_start3A_194 = tpu.memref_squeeze %dma_start3A_193 : memref<1x128x64xf32, #tpu.memory_space<vmem>> -> memref<128x64xf32, #tpu.memory_space<vmem>>
      tpu.enqueue_dma source(%dma_start3A_194 : memref<128x64xf32, #tpu.memory_space<vmem>>) target(%dma_start3A_190 : memref<128x64xf32, #tpu.memory_space<hbm>>) target_semaphore(%arg15 : memref<!tpu.dma_semaphore, #tpu.memory_space<semaphore_mem>>)
      %mul3A_195 = arith.constant 8 : i32
      %mul3A_196 = arith.muli %scan3A_158, %mul3A_195 : i32
      %add3A_197 = arith.constant 1 : i32
      %add3A_198 = arith.addi %mul3A_196, %add3A_197 : i32
      %add3A_199 = arith.constant 4 : i32
      %add3A_200 = arith.addi %add3A_198, %add3A_199 : i32
      %lt3A_201 = arith.constant 200 : i32
      %lt3A_202 = arith.cmpi slt, %add3A_200, %lt3A_201 : i32
      %convert_element_type3A_203 = arith.extui %lt3A_202 : i1 to i32
      %cond3A_204 = arith.constant 0 : i32
      %cond3A_205 = arith.cmpi ne, %convert_element_type3A_203, %cond3A_204 : i32
      scf.if %cond3A_205 {
        %ge3A = arith.constant 4 : i32
        %ge3A_468 = arith.cmpi sge, %add3A_198, %ge3A : i32
        %convert_element_type3A_469 = arith.extui %ge3A_468 : i1 to i32
        %cond3A_470 = arith.constant 0 : i32
        %cond3A_471 = arith.cmpi ne, %convert_element_type3A_469, %cond3A_470 : i32
        scf.if %cond3A_471 {
          %dma_wait3A_485 = arith.constant 5 : i32
          %dma_wait3A_486 = arith.constant 0 : i32
          %dma_wait3A_487 = arith.constant 0 : i32
          %dma_wait3A_488 = tpu.memref_slice %arg6[%dma_wait3A_485, %dma_wait3A_486, %dma_wait3A_487] : memref<8x128x64xf32, #tpu.memory_space<vmem>> -> memref<1x128x64xf32, #tpu.memory_space<vmem>>
          %dma_wait3A_489 = tpu.memref_squeeze %dma_wait3A_488 : memref<1x128x64xf32, #tpu.memory_space<vmem>> -> memref<128x64xf32, #tpu.memory_space<vmem>>
          %dma_wait3A_490 = arith.constant 0 : i32
          %dma_wait3A_491 = tpu.memref_slice %arg4[%mul3A_2, %dma_wait3A_490] : memref<819200x64xf32, #tpu.memory_space<hbm>> -> memref<128x64xf32, #tpu.memory_space<hbm>>
          %dma_wait3A_492 = arith.constant 0 : i32
          %dma_wait3A_493 = tpu.memref_slice %arg4[%mul3A_2, %dma_wait3A_492] : memref<819200x64xf32, #tpu.memory_space<hbm>> -> memref<128x64xf32, #tpu.memory_space<hbm>>
          %dma_wait3A_494 = arith.constant 0 : i32
          %dma_wait3A_495 = arith.constant 0 : i32
          %dma_wait3A_496 = tpu.memref_slice %arg6[%dma_wait3A_485, %dma_wait3A_494, %dma_wait3A_495] : memref<8x128x64xf32, #tpu.memory_space<vmem>> -> memref<1x128x64xf32, #tpu.memory_space<vmem>>
          %dma_wait3A_497 = tpu.memref_squeeze %dma_wait3A_496 : memref<1x128x64xf32, #tpu.memory_space<vmem>> -> memref<128x64xf32, #tpu.memory_space<vmem>>
          tpu.wait_dma2 semaphore(%arg20 : memref<!tpu.dma_semaphore, #tpu.memory_space<semaphore_mem>>) src(%dma_wait3A_497 : memref<128x64xf32, #tpu.memory_space<vmem>>) dst(%dma_wait3A_493 : memref<128x64xf32, #tpu.memory_space<hbm>>)
        } else {
        }
        %add3A_472 = arith.constant 4 : i32
        %add3A_473 = arith.addi %add3A_198, %add3A_472 : i32
        %dma_start3A_474 = arith.constant 5 : i32
        %dma_start3A_475 = arith.constant 0 : i32
        %dma_start3A_476 = arith.constant 0 : i32
        %dma_start3A_477 = tpu.memref_slice %arg6[%dma_start3A_474, %dma_start3A_475, %dma_start3A_476] : memref<8x128x64xf32, #tpu.memory_space<vmem>> -> memref<1x128x64xf32, #tpu.memory_space<vmem>>
        %dma_start3A_478 = tpu.memref_squeeze %dma_start3A_477 : memref<1x128x64xf32, #tpu.memory_space<vmem>> -> memref<128x64xf32, #tpu.memory_space<vmem>>
        %dma_start3A_479 = arith.constant 0 : i32
        %dma_start3A_480 = tpu.memref_slice %arg5[%add3A_473, %dma_start3A_479] : memref<200x128xi32, #tpu.memory_space<vmem>> -> memref<1x128xi32, #tpu.memory_space<vmem>>
        %dma_start3A_481 = tpu.memref_squeeze %dma_start3A_480 : memref<1x128xi32, #tpu.memory_space<vmem>> -> memref<128xi32, #tpu.memory_space<vmem>>
        %dma_start3A_482 = arith.constant 0 : i32
        %dma_start3A_483 = arith.constant 0 : i32
        %dma_start3A_484 = tpu.memref_slice %arg3[%dma_start3A_482, %dma_start3A_483] : memref<1000000x64xf32, #tpu.memory_space<hbm>> -> memref<1000000x64xf32, #tpu.memory_space<hbm>>
        tpu.enqueue_indirect_dma source(%dma_start3A_484 : memref<1000000x64xf32, #tpu.memory_space<hbm>>) target(%dma_start3A_478 : memref<128x64xf32, #tpu.memory_space<vmem>>) offsets(%dma_start3A_481 : memref<128xi32, #tpu.memory_space<vmem>>) semaphore(%arg12 : memref<!tpu.dma_semaphore, #tpu.memory_space<semaphore_mem>>)
      } else {
      }
      %dma_wait3A_206 = arith.constant 0 : i32
      %dma_wait3A_207 = arith.constant 1 : i32
      %dma_wait3A_208 = arith.constant 0 : i32
      %dma_wait3A_209 = arith.constant 0 : i32
      %dma_wait3A_210 = tpu.memref_slice %arg6[%dma_wait3A_207, %dma_wait3A_208, %dma_wait3A_209] : memref<8x128x64xf32, #tpu.memory_space<vmem>> -> memref<1x128x64xf32, #tpu.memory_space<vmem>>
      %dma_wait3A_211 = tpu.memref_squeeze %dma_wait3A_210 : memref<1x128x64xf32, #tpu.memory_space<vmem>> -> memref<128x64xf32, #tpu.memory_space<vmem>>
      %dma_wait3A_212 = arith.constant 0 : i32
      %dma_wait3A_213 = tpu.memref_slice %arg5[%dma_wait3A_206, %dma_wait3A_212] : memref<200x128xi32, #tpu.memory_space<vmem>> -> memref<1x128xi32, #tpu.memory_space<vmem>>
      %dma_wait3A_214 = tpu.memref_squeeze %dma_wait3A_213 : memref<1x128xi32, #tpu.memory_space<vmem>> -> memref<128xi32, #tpu.memory_space<vmem>>
      %dma_wait3A_215 = arith.constant 0 : i32
      %dma_wait3A_216 = arith.constant 0 : i32
      %dma_wait3A_217 = tpu.memref_slice %arg3[%dma_wait3A_215, %dma_wait3A_216] : memref<1000000x64xf32, #tpu.memory_space<hbm>> -> memref<1000000x64xf32, #tpu.memory_space<hbm>>
      tpu.wait_indirect_dma semaphore(%arg8 : memref<!tpu.dma_semaphore, #tpu.memory_space<semaphore_mem>>) src(%dma_wait3A_217 : memref<1000000x64xf32, #tpu.memory_space<hbm>>) dst(%dma_wait3A_211 : memref<128x64xf32, #tpu.memory_space<vmem>>)
      %mul3A_218 = arith.constant 128 : i32
      %mul3A_219 = arith.muli %add3A_198, %mul3A_218 : i32
      %add3A_220 = arith.addi %mul3A_2, %mul3A_219 : i32
      %dma_start3A_221 = arith.constant 1 : i32
      %dma_start3A_222 = arith.constant 0 : i32
      %dma_start3A_223 = arith.constant 0 : i32
      %dma_start3A_224 = tpu.memref_slice %arg6[%dma_start3A_221, %dma_start3A_222, %dma_start3A_223] : memref<8x128x64xf32, #tpu.memory_space<vmem>> -> memref<1x128x64xf32, #tpu.memory_space<vmem>>
      %dma_start3A_225 = tpu.memref_squeeze %dma_start3A_224 : memref<1x128x64xf32, #tpu.memory_space<vmem>> -> memref<128x64xf32, #tpu.memory_space<vmem>>
      %dma_start3A_226 = arith.constant 0 : i32
      %dma_start3A_227 = tpu.memref_slice %arg4[%add3A_220, %dma_start3A_226] : memref<819200x64xf32, #tpu.memory_space<hbm>> -> memref<128x64xf32, #tpu.memory_space<hbm>>
      %dma_start3A_228 = arith.constant 0 : i32
      %dma_start3A_229 = tpu.memref_slice %arg4[%add3A_220, %dma_start3A_228] : memref<819200x64xf32, #tpu.memory_space<hbm>> -> memref<128x64xf32, #tpu.memory_space<hbm>>
      %dma_start3A_230 = arith.constant 0 : i32
      %dma_start3A_231 = arith.constant 0 : i32
      %dma_start3A_232 = tpu.memref_slice %arg6[%dma_start3A_221, %dma_start3A_230, %dma_start3A_231] : memref<8x128x64xf32, #tpu.memory_space<vmem>> -> memref<1x128x64xf32, #tpu.memory_space<vmem>>
      %dma_start3A_233 = tpu.memref_squeeze %dma_start3A_232 : memref<1x128x64xf32, #tpu.memory_space<vmem>> -> memref<128x64xf32, #tpu.memory_space<vmem>>
      tpu.enqueue_dma source(%dma_start3A_233 : memref<128x64xf32, #tpu.memory_space<vmem>>) target(%dma_start3A_229 : memref<128x64xf32, #tpu.memory_space<hbm>>) target_semaphore(%arg16 : memref<!tpu.dma_semaphore, #tpu.memory_space<semaphore_mem>>)
      %mul3A_234 = arith.constant 8 : i32
      %mul3A_235 = arith.muli %scan3A_158, %mul3A_234 : i32
      %add3A_236 = arith.constant 2 : i32
      %add3A_237 = arith.addi %mul3A_235, %add3A_236 : i32
      %add3A_238 = arith.constant 4 : i32
      %add3A_239 = arith.addi %add3A_237, %add3A_238 : i32
      %lt3A_240 = arith.constant 200 : i32
      %lt3A_241 = arith.cmpi slt, %add3A_239, %lt3A_240 : i32
      %convert_element_type3A_242 = arith.extui %lt3A_241 : i1 to i32
      %cond3A_243 = arith.constant 0 : i32
      %cond3A_244 = arith.cmpi ne, %convert_element_type3A_242, %cond3A_243 : i32
      scf.if %cond3A_244 {
        %ge3A = arith.constant 4 : i32
        %ge3A_468 = arith.cmpi sge, %add3A_237, %ge3A : i32
        %convert_element_type3A_469 = arith.extui %ge3A_468 : i1 to i32
        %cond3A_470 = arith.constant 0 : i32
        %cond3A_471 = arith.cmpi ne, %convert_element_type3A_469, %cond3A_470 : i32
        scf.if %cond3A_471 {
          %dma_wait3A_485 = arith.constant 6 : i32
          %dma_wait3A_486 = arith.constant 0 : i32
          %dma_wait3A_487 = arith.constant 0 : i32
          %dma_wait3A_488 = tpu.memref_slice %arg6[%dma_wait3A_485, %dma_wait3A_486, %dma_wait3A_487] : memref<8x128x64xf32, #tpu.memory_space<vmem>> -> memref<1x128x64xf32, #tpu.memory_space<vmem>>
          %dma_wait3A_489 = tpu.memref_squeeze %dma_wait3A_488 : memref<1x128x64xf32, #tpu.memory_space<vmem>> -> memref<128x64xf32, #tpu.memory_space<vmem>>
          %dma_wait3A_490 = arith.constant 0 : i32
          %dma_wait3A_491 = tpu.memref_slice %arg4[%mul3A_2, %dma_wait3A_490] : memref<819200x64xf32, #tpu.memory_space<hbm>> -> memref<128x64xf32, #tpu.memory_space<hbm>>
          %dma_wait3A_492 = arith.constant 0 : i32
          %dma_wait3A_493 = tpu.memref_slice %arg4[%mul3A_2, %dma_wait3A_492] : memref<819200x64xf32, #tpu.memory_space<hbm>> -> memref<128x64xf32, #tpu.memory_space<hbm>>
          %dma_wait3A_494 = arith.constant 0 : i32
          %dma_wait3A_495 = arith.constant 0 : i32
          %dma_wait3A_496 = tpu.memref_slice %arg6[%dma_wait3A_485, %dma_wait3A_494, %dma_wait3A_495] : memref<8x128x64xf32, #tpu.memory_space<vmem>> -> memref<1x128x64xf32, #tpu.memory_space<vmem>>
          %dma_wait3A_497 = tpu.memref_squeeze %dma_wait3A_496 : memref<1x128x64xf32, #tpu.memory_space<vmem>> -> memref<128x64xf32, #tpu.memory_space<vmem>>
          tpu.wait_dma2 semaphore(%arg21 : memref<!tpu.dma_semaphore, #tpu.memory_space<semaphore_mem>>) src(%dma_wait3A_497 : memref<128x64xf32, #tpu.memory_space<vmem>>) dst(%dma_wait3A_493 : memref<128x64xf32, #tpu.memory_space<hbm>>)
        } else {
        }
        %add3A_472 = arith.constant 4 : i32
        %add3A_473 = arith.addi %add3A_237, %add3A_472 : i32
        %dma_start3A_474 = arith.constant 6 : i32
        %dma_start3A_475 = arith.constant 0 : i32
        %dma_start3A_476 = arith.constant 0 : i32
        %dma_start3A_477 = tpu.memref_slice %arg6[%dma_start3A_474, %dma_start3A_475, %dma_start3A_476] : memref<8x128x64xf32, #tpu.memory_space<vmem>> -> memref<1x128x64xf32, #tpu.memory_space<vmem>>
        %dma_start3A_478 = tpu.memref_squeeze %dma_start3A_477 : memref<1x128x64xf32, #tpu.memory_space<vmem>> -> memref<128x64xf32, #tpu.memory_space<vmem>>
        %dma_start3A_479 = arith.constant 0 : i32
        %dma_start3A_480 = tpu.memref_slice %arg5[%add3A_473, %dma_start3A_479] : memref<200x128xi32, #tpu.memory_space<vmem>> -> memref<1x128xi32, #tpu.memory_space<vmem>>
        %dma_start3A_481 = tpu.memref_squeeze %dma_start3A_480 : memref<1x128xi32, #tpu.memory_space<vmem>> -> memref<128xi32, #tpu.memory_space<vmem>>
        %dma_start3A_482 = arith.constant 0 : i32
        %dma_start3A_483 = arith.constant 0 : i32
        %dma_start3A_484 = tpu.memref_slice %arg3[%dma_start3A_482, %dma_start3A_483] : memref<1000000x64xf32, #tpu.memory_space<hbm>> -> memref<1000000x64xf32, #tpu.memory_space<hbm>>
        tpu.enqueue_indirect_dma source(%dma_start3A_484 : memref<1000000x64xf32, #tpu.memory_space<hbm>>) target(%dma_start3A_478 : memref<128x64xf32, #tpu.memory_space<vmem>>) offsets(%dma_start3A_481 : memref<128xi32, #tpu.memory_space<vmem>>) semaphore(%arg13 : memref<!tpu.dma_semaphore, #tpu.memory_space<semaphore_mem>>)
      } else {
      }
      %dma_wait3A_245 = arith.constant 0 : i32
      %dma_wait3A_246 = arith.constant 2 : i32
      %dma_wait3A_247 = arith.constant 0 : i32
      %dma_wait3A_248 = arith.constant 0 : i32
      %dma_wait3A_249 = tpu.memref_slice %arg6[%dma_wait3A_246, %dma_wait3A_247, %dma_wait3A_248] : memref<8x128x64xf32, #tpu.memory_space<vmem>> -> memref<1x128x64xf32, #tpu.memory_space<vmem>>
      %dma_wait3A_250 = tpu.memref_squeeze %dma_wait3A_249 : memref<1x128x64xf32, #tpu.memory_space<vmem>> -> memref<128x64xf32, #tpu.memory_space<vmem>>
      %dma_wait3A_251 = arith.constant 0 : i32
      %dma_wait3A_252 = tpu.memref_slice %arg5[%dma_wait3A_245, %dma_wait3A_251] : memref<200x128xi32, #tpu.memory_space<vmem>> -> memref<1x128xi32, #tpu.memory_space<vmem>>
      %dma_wait3A_253 = tpu.memref_squeeze %dma_wait3A_252 : memref<1x128xi32, #tpu.memory_space<vmem>> -> memref<128xi32, #tpu.memory_space<vmem>>
      %dma_wait3A_254 = arith.constant 0 : i32
      %dma_wait3A_255 = arith.constant 0 : i32
      %dma_wait3A_256 = tpu.memref_slice %arg3[%dma_wait3A_254, %dma_wait3A_255] : memref<1000000x64xf32, #tpu.memory_space<hbm>> -> memref<1000000x64xf32, #tpu.memory_space<hbm>>
      tpu.wait_indirect_dma semaphore(%arg9 : memref<!tpu.dma_semaphore, #tpu.memory_space<semaphore_mem>>) src(%dma_wait3A_256 : memref<1000000x64xf32, #tpu.memory_space<hbm>>) dst(%dma_wait3A_250 : memref<128x64xf32, #tpu.memory_space<vmem>>)
      %mul3A_257 = arith.constant 128 : i32
      %mul3A_258 = arith.muli %add3A_237, %mul3A_257 : i32
      %add3A_259 = arith.addi %mul3A_2, %mul3A_258 : i32
      %dma_start3A_260 = arith.constant 2 : i32
      %dma_start3A_261 = arith.constant 0 : i32
      %dma_start3A_262 = arith.constant 0 : i32
      %dma_start3A_263 = tpu.memref_slice %arg6[%dma_start3A_260, %dma_start3A_261, %dma_start3A_262] : memref<8x128x64xf32, #tpu.memory_space<vmem>> -> memref<1x128x64xf32, #tpu.memory_space<vmem>>
      %dma_start3A_264 = tpu.memref_squeeze %dma_start3A_263 : memref<1x128x64xf32, #tpu.memory_space<vmem>> -> memref<128x64xf32, #tpu.memory_space<vmem>>
      %dma_start3A_265 = arith.constant 0 : i32
      %dma_start3A_266 = tpu.memref_slice %arg4[%add3A_259, %dma_start3A_265] : memref<819200x64xf32, #tpu.memory_space<hbm>> -> memref<128x64xf32, #tpu.memory_space<hbm>>
      %dma_start3A_267 = arith.constant 0 : i32
      %dma_start3A_268 = tpu.memref_slice %arg4[%add3A_259, %dma_start3A_267] : memref<819200x64xf32, #tpu.memory_space<hbm>> -> memref<128x64xf32, #tpu.memory_space<hbm>>
      %dma_start3A_269 = arith.constant 0 : i32
      %dma_start3A_270 = arith.constant 0 : i32
      %dma_start3A_271 = tpu.memref_slice %arg6[%dma_start3A_260, %dma_start3A_269, %dma_start3A_270] : memref<8x128x64xf32, #tpu.memory_space<vmem>> -> memref<1x128x64xf32, #tpu.memory_space<vmem>>
      %dma_start3A_272 = tpu.memref_squeeze %dma_start3A_271 : memref<1x128x64xf32, #tpu.memory_space<vmem>> -> memref<128x64xf32, #tpu.memory_space<vmem>>
      tpu.enqueue_dma source(%dma_start3A_272 : memref<128x64xf32, #tpu.memory_space<vmem>>) target(%dma_start3A_268 : memref<128x64xf32, #tpu.memory_space<hbm>>) target_semaphore(%arg17 : memref<!tpu.dma_semaphore, #tpu.memory_space<semaphore_mem>>)
      %mul3A_273 = arith.constant 8 : i32
      %mul3A_274 = arith.muli %scan3A_158, %mul3A_273 : i32
      %add3A_275 = arith.constant 3 : i32
      %add3A_276 = arith.addi %mul3A_274, %add3A_275 : i32
      %add3A_277 = arith.constant 4 : i32
      %add3A_278 = arith.addi %add3A_276, %add3A_277 : i32
      %lt3A_279 = arith.constant 200 : i32
      %lt3A_280 = arith.cmpi slt, %add3A_278, %lt3A_279 : i32
      %convert_element_type3A_281 = arith.extui %lt3A_280 : i1 to i32
      %cond3A_282 = arith.constant 0 : i32
      %cond3A_283 = arith.cmpi ne, %convert_element_type3A_281, %cond3A_282 : i32
      scf.if %cond3A_283 {
        %ge3A = arith.constant 4 : i32
        %ge3A_468 = arith.cmpi sge, %add3A_276, %ge3A : i32
        %convert_element_type3A_469 = arith.extui %ge3A_468 : i1 to i32
        %cond3A_470 = arith.constant 0 : i32
        %cond3A_471 = arith.cmpi ne, %convert_element_type3A_469, %cond3A_470 : i32
        scf.if %cond3A_471 {
          %dma_wait3A_485 = arith.constant 7 : i32
          %dma_wait3A_486 = arith.constant 0 : i32
          %dma_wait3A_487 = arith.constant 0 : i32
          %dma_wait3A_488 = tpu.memref_slice %arg6[%dma_wait3A_485, %dma_wait3A_486, %dma_wait3A_487] : memref<8x128x64xf32, #tpu.memory_space<vmem>> -> memref<1x128x64xf32, #tpu.memory_space<vmem>>
          %dma_wait3A_489 = tpu.memref_squeeze %dma_wait3A_488 : memref<1x128x64xf32, #tpu.memory_space<vmem>> -> memref<128x64xf32, #tpu.memory_space<vmem>>
          %dma_wait3A_490 = arith.constant 0 : i32
          %dma_wait3A_491 = tpu.memref_slice %arg4[%mul3A_2, %dma_wait3A_490] : memref<819200x64xf32, #tpu.memory_space<hbm>> -> memref<128x64xf32, #tpu.memory_space<hbm>>
          %dma_wait3A_492 = arith.constant 0 : i32
          %dma_wait3A_493 = tpu.memref_slice %arg4[%mul3A_2, %dma_wait3A_492] : memref<819200x64xf32, #tpu.memory_space<hbm>> -> memref<128x64xf32, #tpu.memory_space<hbm>>
          %dma_wait3A_494 = arith.constant 0 : i32
          %dma_wait3A_495 = arith.constant 0 : i32
          %dma_wait3A_496 = tpu.memref_slice %arg6[%dma_wait3A_485, %dma_wait3A_494, %dma_wait3A_495] : memref<8x128x64xf32, #tpu.memory_space<vmem>> -> memref<1x128x64xf32, #tpu.memory_space<vmem>>
          %dma_wait3A_497 = tpu.memref_squeeze %dma_wait3A_496 : memref<1x128x64xf32, #tpu.memory_space<vmem>> -> memref<128x64xf32, #tpu.memory_space<vmem>>
          tpu.wait_dma2 semaphore(%arg22 : memref<!tpu.dma_semaphore, #tpu.memory_space<semaphore_mem>>) src(%dma_wait3A_497 : memref<128x64xf32, #tpu.memory_space<vmem>>) dst(%dma_wait3A_493 : memref<128x64xf32, #tpu.memory_space<hbm>>)
        } else {
        }
        %add3A_472 = arith.constant 4 : i32
        %add3A_473 = arith.addi %add3A_276, %add3A_472 : i32
        %dma_start3A_474 = arith.constant 7 : i32
        %dma_start3A_475 = arith.constant 0 : i32
        %dma_start3A_476 = arith.constant 0 : i32
        %dma_start3A_477 = tpu.memref_slice %arg6[%dma_start3A_474, %dma_start3A_475, %dma_start3A_476] : memref<8x128x64xf32, #tpu.memory_space<vmem>> -> memref<1x128x64xf32, #tpu.memory_space<vmem>>
        %dma_start3A_478 = tpu.memref_squeeze %dma_start3A_477 : memref<1x128x64xf32, #tpu.memory_space<vmem>> -> memref<128x64xf32, #tpu.memory_space<vmem>>
        %dma_start3A_479 = arith.constant 0 : i32
        %dma_start3A_480 = tpu.memref_slice %arg5[%add3A_473, %dma_start3A_479] : memref<200x128xi32, #tpu.memory_space<vmem>> -> memref<1x128xi32, #tpu.memory_space<vmem>>
        %dma_start3A_481 = tpu.memref_squeeze %dma_start3A_480 : memref<1x128xi32, #tpu.memory_space<vmem>> -> memref<128xi32, #tpu.memory_space<vmem>>
        %dma_start3A_482 = arith.constant 0 : i32
        %dma_start3A_483 = arith.constant 0 : i32
        %dma_start3A_484 = tpu.memref_slice %arg3[%dma_start3A_482, %dma_start3A_483] : memref<1000000x64xf32, #tpu.memory_space<hbm>> -> memref<1000000x64xf32, #tpu.memory_space<hbm>>
        tpu.enqueue_indirect_dma source(%dma_start3A_484 : memref<1000000x64xf32, #tpu.memory_space<hbm>>) target(%dma_start3A_478 : memref<128x64xf32, #tpu.memory_space<vmem>>) offsets(%dma_start3A_481 : memref<128xi32, #tpu.memory_space<vmem>>) semaphore(%arg14 : memref<!tpu.dma_semaphore, #tpu.memory_space<semaphore_mem>>)
      } else {
      }
      %dma_wait3A_284 = arith.constant 0 : i32
      %dma_wait3A_285 = arith.constant 3 : i32
      %dma_wait3A_286 = arith.constant 0 : i32
      %dma_wait3A_287 = arith.constant 0 : i32
      %dma_wait3A_288 = tpu.memref_slice %arg6[%dma_wait3A_285, %dma_wait3A_286, %dma_wait3A_287] : memref<8x128x64xf32, #tpu.memory_space<vmem>> -> memref<1x128x64xf32, #tpu.memory_space<vmem>>
      %dma_wait3A_289 = tpu.memref_squeeze %dma_wait3A_288 : memref<1x128x64xf32, #tpu.memory_space<vmem>> -> memref<128x64xf32, #tpu.memory_space<vmem>>
      %dma_wait3A_290 = arith.constant 0 : i32
      %dma_wait3A_291 = tpu.memref_slice %arg5[%dma_wait3A_284, %dma_wait3A_290] : memref<200x128xi32, #tpu.memory_space<vmem>> -> memref<1x128xi32, #tpu.memory_space<vmem>>
      %dma_wait3A_292 = tpu.memref_squeeze %dma_wait3A_291 : memref<1x128xi32, #tpu.memory_space<vmem>> -> memref<128xi32, #tpu.memory_space<vmem>>
      %dma_wait3A_293 = arith.constant 0 : i32
      %dma_wait3A_294 = arith.constant 0 : i32
      %dma_wait3A_295 = tpu.memref_slice %arg3[%dma_wait3A_293, %dma_wait3A_294] : memref<1000000x64xf32, #tpu.memory_space<hbm>> -> memref<1000000x64xf32, #tpu.memory_space<hbm>>
      tpu.wait_indirect_dma semaphore(%arg10 : memref<!tpu.dma_semaphore, #tpu.memory_space<semaphore_mem>>) src(%dma_wait3A_295 : memref<1000000x64xf32, #tpu.memory_space<hbm>>) dst(%dma_wait3A_289 : memref<128x64xf32, #tpu.memory_space<vmem>>)
      %mul3A_296 = arith.constant 128 : i32
      %mul3A_297 = arith.muli %add3A_276, %mul3A_296 : i32
      %add3A_298 = arith.addi %mul3A_2, %mul3A_297 : i32
      %dma_start3A_299 = arith.constant 3 : i32
      %dma_start3A_300 = arith.constant 0 : i32
      %dma_start3A_301 = arith.constant 0 : i32
      %dma_start3A_302 = tpu.memref_slice %arg6[%dma_start3A_299, %dma_start3A_300, %dma_start3A_301] : memref<8x128x64xf32, #tpu.memory_space<vmem>> -> memref<1x128x64xf32, #tpu.memory_space<vmem>>
      %dma_start3A_303 = tpu.memref_squeeze %dma_start3A_302 : memref<1x128x64xf32, #tpu.memory_space<vmem>> -> memref<128x64xf32, #tpu.memory_space<vmem>>
      %dma_start3A_304 = arith.constant 0 : i32
      %dma_start3A_305 = tpu.memref_slice %arg4[%add3A_298, %dma_start3A_304] : memref<819200x64xf32, #tpu.memory_space<hbm>> -> memref<128x64xf32, #tpu.memory_space<hbm>>
      %dma_start3A_306 = arith.constant 0 : i32
      %dma_start3A_307 = tpu.memref_slice %arg4[%add3A_298, %dma_start3A_306] : memref<819200x64xf32, #tpu.memory_space<hbm>> -> memref<128x64xf32, #tpu.memory_space<hbm>>
      %dma_start3A_308 = arith.constant 0 : i32
      %dma_start3A_309 = arith.constant 0 : i32
      %dma_start3A_310 = tpu.memref_slice %arg6[%dma_start3A_299, %dma_start3A_308, %dma_start3A_309] : memref<8x128x64xf32, #tpu.memory_space<vmem>> -> memref<1x128x64xf32, #tpu.memory_space<vmem>>
      %dma_start3A_311 = tpu.memref_squeeze %dma_start3A_310 : memref<1x128x64xf32, #tpu.memory_space<vmem>> -> memref<128x64xf32, #tpu.memory_space<vmem>>
      tpu.enqueue_dma source(%dma_start3A_311 : memref<128x64xf32, #tpu.memory_space<vmem>>) target(%dma_start3A_307 : memref<128x64xf32, #tpu.memory_space<hbm>>) target_semaphore(%arg18 : memref<!tpu.dma_semaphore, #tpu.memory_space<semaphore_mem>>)
      %mul3A_312 = arith.constant 8 : i32
      %mul3A_313 = arith.muli %scan3A_158, %mul3A_312 : i32
      %add3A_314 = arith.constant 4 : i32
      %add3A_315 = arith.addi %mul3A_313, %add3A_314 : i32
      %add3A_316 = arith.constant 4 : i32
      %add3A_317 = arith.addi %add3A_315, %add3A_316 : i32
      %lt3A_318 = arith.constant 200 : i32
      %lt3A_319 = arith.cmpi slt, %add3A_317, %lt3A_318 : i32
      %convert_element_type3A_320 = arith.extui %lt3A_319 : i1 to i32
      %cond3A_321 = arith.constant 0 : i32
      %cond3A_322 = arith.cmpi ne, %convert_element_type3A_320, %cond3A_321 : i32
      scf.if %cond3A_322 {
        %ge3A = arith.constant 4 : i32
        %ge3A_468 = arith.cmpi sge, %add3A_315, %ge3A : i32
        %convert_element_type3A_469 = arith.extui %ge3A_468 : i1 to i32
        %cond3A_470 = arith.constant 0 : i32
        %cond3A_471 = arith.cmpi ne, %convert_element_type3A_469, %cond3A_470 : i32
        scf.if %cond3A_471 {
          %dma_wait3A_485 = arith.constant 0 : i32
          %dma_wait3A_486 = arith.constant 0 : i32
          %dma_wait3A_487 = arith.constant 0 : i32
          %dma_wait3A_488 = tpu.memref_slice %arg6[%dma_wait3A_485, %dma_wait3A_486, %dma_wait3A_487] : memref<8x128x64xf32, #tpu.memory_space<vmem>> -> memref<1x128x64xf32, #tpu.memory_space<vmem>>
          %dma_wait3A_489 = tpu.memref_squeeze %dma_wait3A_488 : memref<1x128x64xf32, #tpu.memory_space<vmem>> -> memref<128x64xf32, #tpu.memory_space<vmem>>
          %dma_wait3A_490 = arith.constant 0 : i32
          %dma_wait3A_491 = tpu.memref_slice %arg4[%mul3A_2, %dma_wait3A_490] : memref<819200x64xf32, #tpu.memory_space<hbm>> -> memref<128x64xf32, #tpu.memory_space<hbm>>
          %dma_wait3A_492 = arith.constant 0 : i32
          %dma_wait3A_493 = tpu.memref_slice %arg4[%mul3A_2, %dma_wait3A_492] : memref<819200x64xf32, #tpu.memory_space<hbm>> -> memref<128x64xf32, #tpu.memory_space<hbm>>
          %dma_wait3A_494 = arith.constant 0 : i32
          %dma_wait3A_495 = arith.constant 0 : i32
          %dma_wait3A_496 = tpu.memref_slice %arg6[%dma_wait3A_485, %dma_wait3A_494, %dma_wait3A_495] : memref<8x128x64xf32, #tpu.memory_space<vmem>> -> memref<1x128x64xf32, #tpu.memory_space<vmem>>
          %dma_wait3A_497 = tpu.memref_squeeze %dma_wait3A_496 : memref<1x128x64xf32, #tpu.memory_space<vmem>> -> memref<128x64xf32, #tpu.memory_space<vmem>>
          tpu.wait_dma2 semaphore(%arg15 : memref<!tpu.dma_semaphore, #tpu.memory_space<semaphore_mem>>) src(%dma_wait3A_497 : memref<128x64xf32, #tpu.memory_space<vmem>>) dst(%dma_wait3A_493 : memref<128x64xf32, #tpu.memory_space<hbm>>)
        } else {
        }
        %add3A_472 = arith.constant 4 : i32
        %add3A_473 = arith.addi %add3A_315, %add3A_472 : i32
        %dma_start3A_474 = arith.constant 0 : i32
        %dma_start3A_475 = arith.constant 0 : i32
        %dma_start3A_476 = arith.constant 0 : i32
        %dma_start3A_477 = tpu.memref_slice %arg6[%dma_start3A_474, %dma_start3A_475, %dma_start3A_476] : memref<8x128x64xf32, #tpu.memory_space<vmem>> -> memref<1x128x64xf32, #tpu.memory_space<vmem>>
        %dma_start3A_478 = tpu.memref_squeeze %dma_start3A_477 : memref<1x128x64xf32, #tpu.memory_space<vmem>> -> memref<128x64xf32, #tpu.memory_space<vmem>>
        %dma_start3A_479 = arith.constant 0 : i32
        %dma_start3A_480 = tpu.memref_slice %arg5[%add3A_473, %dma_start3A_479] : memref<200x128xi32, #tpu.memory_space<vmem>> -> memref<1x128xi32, #tpu.memory_space<vmem>>
        %dma_start3A_481 = tpu.memref_squeeze %dma_start3A_480 : memref<1x128xi32, #tpu.memory_space<vmem>> -> memref<128xi32, #tpu.memory_space<vmem>>
        %dma_start3A_482 = arith.constant 0 : i32
        %dma_start3A_483 = arith.constant 0 : i32
        %dma_start3A_484 = tpu.memref_slice %arg3[%dma_start3A_482, %dma_start3A_483] : memref<1000000x64xf32, #tpu.memory_space<hbm>> -> memref<1000000x64xf32, #tpu.memory_space<hbm>>
        tpu.enqueue_indirect_dma source(%dma_start3A_484 : memref<1000000x64xf32, #tpu.memory_space<hbm>>) target(%dma_start3A_478 : memref<128x64xf32, #tpu.memory_space<vmem>>) offsets(%dma_start3A_481 : memref<128xi32, #tpu.memory_space<vmem>>) semaphore(%arg7 : memref<!tpu.dma_semaphore, #tpu.memory_space<semaphore_mem>>)
      } else {
      }
      %dma_wait3A_323 = arith.constant 0 : i32
      %dma_wait3A_324 = arith.constant 4 : i32
      %dma_wait3A_325 = arith.constant 0 : i32
      %dma_wait3A_326 = arith.constant 0 : i32
      %dma_wait3A_327 = tpu.memref_slice %arg6[%dma_wait3A_324, %dma_wait3A_325, %dma_wait3A_326] : memref<8x128x64xf32, #tpu.memory_space<vmem>> -> memref<1x128x64xf32, #tpu.memory_space<vmem>>
      %dma_wait3A_328 = tpu.memref_squeeze %dma_wait3A_327 : memref<1x128x64xf32, #tpu.memory_space<vmem>> -> memref<128x64xf32, #tpu.memory_space<vmem>>
      %dma_wait3A_329 = arith.constant 0 : i32
      %dma_wait3A_330 = tpu.memref_slice %arg5[%dma_wait3A_323, %dma_wait3A_329] : memref<200x128xi32, #tpu.memory_space<vmem>> -> memref<1x128xi32, #tpu.memory_space<vmem>>
      %dma_wait3A_331 = tpu.memref_squeeze %dma_wait3A_330 : memref<1x128xi32, #tpu.memory_space<vmem>> -> memref<128xi32, #tpu.memory_space<vmem>>
      %dma_wait3A_332 = arith.constant 0 : i32
      %dma_wait3A_333 = arith.constant 0 : i32
      %dma_wait3A_334 = tpu.memref_slice %arg3[%dma_wait3A_332, %dma_wait3A_333] : memref<1000000x64xf32, #tpu.memory_space<hbm>> -> memref<1000000x64xf32, #tpu.memory_space<hbm>>
      tpu.wait_indirect_dma semaphore(%arg11 : memref<!tpu.dma_semaphore, #tpu.memory_space<semaphore_mem>>) src(%dma_wait3A_334 : memref<1000000x64xf32, #tpu.memory_space<hbm>>) dst(%dma_wait3A_328 : memref<128x64xf32, #tpu.memory_space<vmem>>)
      %mul3A_335 = arith.constant 128 : i32
      %mul3A_336 = arith.muli %add3A_315, %mul3A_335 : i32
      %add3A_337 = arith.addi %mul3A_2, %mul3A_336 : i32
      %dma_start3A_338 = arith.constant 4 : i32
      %dma_start3A_339 = arith.constant 0 : i32
      %dma_start3A_340 = arith.constant 0 : i32
      %dma_start3A_341 = tpu.memref_slice %arg6[%dma_start3A_338, %dma_start3A_339, %dma_start3A_340] : memref<8x128x64xf32, #tpu.memory_space<vmem>> -> memref<1x128x64xf32, #tpu.memory_space<vmem>>
      %dma_start3A_342 = tpu.memref_squeeze %dma_start3A_341 : memref<1x128x64xf32, #tpu.memory_space<vmem>> -> memref<128x64xf32, #tpu.memory_space<vmem>>
      %dma_start3A_343 = arith.constant 0 : i32
      %dma_start3A_344 = tpu.memref_slice %arg4[%add3A_337, %dma_start3A_343] : memref<819200x64xf32, #tpu.memory_space<hbm>> -> memref<128x64xf32, #tpu.memory_space<hbm>>
      %dma_start3A_345 = arith.constant 0 : i32
      %dma_start3A_346 = tpu.memref_slice %arg4[%add3A_337, %dma_start3A_345] : memref<819200x64xf32, #tpu.memory_space<hbm>> -> memref<128x64xf32, #tpu.memory_space<hbm>>
      %dma_start3A_347 = arith.constant 0 : i32
      %dma_start3A_348 = arith.constant 0 : i32
      %dma_start3A_349 = tpu.memref_slice %arg6[%dma_start3A_338, %dma_start3A_347, %dma_start3A_348] : memref<8x128x64xf32, #tpu.memory_space<vmem>> -> memref<1x128x64xf32, #tpu.memory_space<vmem>>
      %dma_start3A_350 = tpu.memref_squeeze %dma_start3A_349 : memref<1x128x64xf32, #tpu.memory_space<vmem>> -> memref<128x64xf32, #tpu.memory_space<vmem>>
      tpu.enqueue_dma source(%dma_start3A_350 : memref<128x64xf32, #tpu.memory_space<vmem>>) target(%dma_start3A_346 : memref<128x64xf32, #tpu.memory_space<hbm>>) target_semaphore(%arg19 : memref<!tpu.dma_semaphore, #tpu.memory_space<semaphore_mem>>)
      %mul3A_351 = arith.constant 8 : i32
      %mul3A_352 = arith.muli %scan3A_158, %mul3A_351 : i32
      %add3A_353 = arith.constant 5 : i32
      %add3A_354 = arith.addi %mul3A_352, %add3A_353 : i32
      %add3A_355 = arith.constant 4 : i32
      %add3A_356 = arith.addi %add3A_354, %add3A_355 : i32
      %lt3A_357 = arith.constant 200 : i32
      %lt3A_358 = arith.cmpi slt, %add3A_356, %lt3A_357 : i32
      %convert_element_type3A_359 = arith.extui %lt3A_358 : i1 to i32
      %cond3A_360 = arith.constant 0 : i32
      %cond3A_361 = arith.cmpi ne, %convert_element_type3A_359, %cond3A_360 : i32
      scf.if %cond3A_361 {
        %ge3A = arith.constant 4 : i32
        %ge3A_468 = arith.cmpi sge, %add3A_354, %ge3A : i32
        %convert_element_type3A_469 = arith.extui %ge3A_468 : i1 to i32
        %cond3A_470 = arith.constant 0 : i32
        %cond3A_471 = arith.cmpi ne, %convert_element_type3A_469, %cond3A_470 : i32
        scf.if %cond3A_471 {
          %dma_wait3A_485 = arith.constant 1 : i32
          %dma_wait3A_486 = arith.constant 0 : i32
          %dma_wait3A_487 = arith.constant 0 : i32
          %dma_wait3A_488 = tpu.memref_slice %arg6[%dma_wait3A_485, %dma_wait3A_486, %dma_wait3A_487] : memref<8x128x64xf32, #tpu.memory_space<vmem>> -> memref<1x128x64xf32, #tpu.memory_space<vmem>>
          %dma_wait3A_489 = tpu.memref_squeeze %dma_wait3A_488 : memref<1x128x64xf32, #tpu.memory_space<vmem>> -> memref<128x64xf32, #tpu.memory_space<vmem>>
          %dma_wait3A_490 = arith.constant 0 : i32
          %dma_wait3A_491 = tpu.memref_slice %arg4[%mul3A_2, %dma_wait3A_490] : memref<819200x64xf32, #tpu.memory_space<hbm>> -> memref<128x64xf32, #tpu.memory_space<hbm>>
          %dma_wait3A_492 = arith.constant 0 : i32
          %dma_wait3A_493 = tpu.memref_slice %arg4[%mul3A_2, %dma_wait3A_492] : memref<819200x64xf32, #tpu.memory_space<hbm>> -> memref<128x64xf32, #tpu.memory_space<hbm>>
          %dma_wait3A_494 = arith.constant 0 : i32
          %dma_wait3A_495 = arith.constant 0 : i32
          %dma_wait3A_496 = tpu.memref_slice %arg6[%dma_wait3A_485, %dma_wait3A_494, %dma_wait3A_495] : memref<8x128x64xf32, #tpu.memory_space<vmem>> -> memref<1x128x64xf32, #tpu.memory_space<vmem>>
          %dma_wait3A_497 = tpu.memref_squeeze %dma_wait3A_496 : memref<1x128x64xf32, #tpu.memory_space<vmem>> -> memref<128x64xf32, #tpu.memory_space<vmem>>
          tpu.wait_dma2 semaphore(%arg16 : memref<!tpu.dma_semaphore, #tpu.memory_space<semaphore_mem>>) src(%dma_wait3A_497 : memref<128x64xf32, #tpu.memory_space<vmem>>) dst(%dma_wait3A_493 : memref<128x64xf32, #tpu.memory_space<hbm>>)
        } else {
        }
        %add3A_472 = arith.constant 4 : i32
        %add3A_473 = arith.addi %add3A_354, %add3A_472 : i32
        %dma_start3A_474 = arith.constant 1 : i32
        %dma_start3A_475 = arith.constant 0 : i32
        %dma_start3A_476 = arith.constant 0 : i32
        %dma_start3A_477 = tpu.memref_slice %arg6[%dma_start3A_474, %dma_start3A_475, %dma_start3A_476] : memref<8x128x64xf32, #tpu.memory_space<vmem>> -> memref<1x128x64xf32, #tpu.memory_space<vmem>>
        %dma_start3A_478 = tpu.memref_squeeze %dma_start3A_477 : memref<1x128x64xf32, #tpu.memory_space<vmem>> -> memref<128x64xf32, #tpu.memory_space<vmem>>
        %dma_start3A_479 = arith.constant 0 : i32
        %dma_start3A_480 = tpu.memref_slice %arg5[%add3A_473, %dma_start3A_479] : memref<200x128xi32, #tpu.memory_space<vmem>> -> memref<1x128xi32, #tpu.memory_space<vmem>>
        %dma_start3A_481 = tpu.memref_squeeze %dma_start3A_480 : memref<1x128xi32, #tpu.memory_space<vmem>> -> memref<128xi32, #tpu.memory_space<vmem>>
        %dma_start3A_482 = arith.constant 0 : i32
        %dma_start3A_483 = arith.constant 0 : i32
        %dma_start3A_484 = tpu.memref_slice %arg3[%dma_start3A_482, %dma_start3A_483] : memref<1000000x64xf32, #tpu.memory_space<hbm>> -> memref<1000000x64xf32, #tpu.memory_space<hbm>>
        tpu.enqueue_indirect_dma source(%dma_start3A_484 : memref<1000000x64xf32, #tpu.memory_space<hbm>>) target(%dma_start3A_478 : memref<128x64xf32, #tpu.memory_space<vmem>>) offsets(%dma_start3A_481 : memref<128xi32, #tpu.memory_space<vmem>>) semaphore(%arg8 : memref<!tpu.dma_semaphore, #tpu.memory_space<semaphore_mem>>)
      } else {
      }
      %dma_wait3A_362 = arith.constant 0 : i32
      %dma_wait3A_363 = arith.constant 5 : i32
      %dma_wait3A_364 = arith.constant 0 : i32
      %dma_wait3A_365 = arith.constant 0 : i32
      %dma_wait3A_366 = tpu.memref_slice %arg6[%dma_wait3A_363, %dma_wait3A_364, %dma_wait3A_365] : memref<8x128x64xf32, #tpu.memory_space<vmem>> -> memref<1x128x64xf32, #tpu.memory_space<vmem>>
      %dma_wait3A_367 = tpu.memref_squeeze %dma_wait3A_366 : memref<1x128x64xf32, #tpu.memory_space<vmem>> -> memref<128x64xf32, #tpu.memory_space<vmem>>
      %dma_wait3A_368 = arith.constant 0 : i32
      %dma_wait3A_369 = tpu.memref_slice %arg5[%dma_wait3A_362, %dma_wait3A_368] : memref<200x128xi32, #tpu.memory_space<vmem>> -> memref<1x128xi32, #tpu.memory_space<vmem>>
      %dma_wait3A_370 = tpu.memref_squeeze %dma_wait3A_369 : memref<1x128xi32, #tpu.memory_space<vmem>> -> memref<128xi32, #tpu.memory_space<vmem>>
      %dma_wait3A_371 = arith.constant 0 : i32
      %dma_wait3A_372 = arith.constant 0 : i32
      %dma_wait3A_373 = tpu.memref_slice %arg3[%dma_wait3A_371, %dma_wait3A_372] : memref<1000000x64xf32, #tpu.memory_space<hbm>> -> memref<1000000x64xf32, #tpu.memory_space<hbm>>
      tpu.wait_indirect_dma semaphore(%arg12 : memref<!tpu.dma_semaphore, #tpu.memory_space<semaphore_mem>>) src(%dma_wait3A_373 : memref<1000000x64xf32, #tpu.memory_space<hbm>>) dst(%dma_wait3A_367 : memref<128x64xf32, #tpu.memory_space<vmem>>)
      %mul3A_374 = arith.constant 128 : i32
      %mul3A_375 = arith.muli %add3A_354, %mul3A_374 : i32
      %add3A_376 = arith.addi %mul3A_2, %mul3A_375 : i32
      %dma_start3A_377 = arith.constant 5 : i32
      %dma_start3A_378 = arith.constant 0 : i32
      %dma_start3A_379 = arith.constant 0 : i32
      %dma_start3A_380 = tpu.memref_slice %arg6[%dma_start3A_377, %dma_start3A_378, %dma_start3A_379] : memref<8x128x64xf32, #tpu.memory_space<vmem>> -> memref<1x128x64xf32, #tpu.memory_space<vmem>>
      %dma_start3A_381 = tpu.memref_squeeze %dma_start3A_380 : memref<1x128x64xf32, #tpu.memory_space<vmem>> -> memref<128x64xf32, #tpu.memory_space<vmem>>
      %dma_start3A_382 = arith.constant 0 : i32
      %dma_start3A_383 = tpu.memref_slice %arg4[%add3A_376, %dma_start3A_382] : memref<819200x64xf32, #tpu.memory_space<hbm>> -> memref<128x64xf32, #tpu.memory_space<hbm>>
      %dma_start3A_384 = arith.constant 0 : i32
      %dma_start3A_385 = tpu.memref_slice %arg4[%add3A_376, %dma_start3A_384] : memref<819200x64xf32, #tpu.memory_space<hbm>> -> memref<128x64xf32, #tpu.memory_space<hbm>>
      %dma_start3A_386 = arith.constant 0 : i32
      %dma_start3A_387 = arith.constant 0 : i32
      %dma_start3A_388 = tpu.memref_slice %arg6[%dma_start3A_377, %dma_start3A_386, %dma_start3A_387] : memref<8x128x64xf32, #tpu.memory_space<vmem>> -> memref<1x128x64xf32, #tpu.memory_space<vmem>>
      %dma_start3A_389 = tpu.memref_squeeze %dma_start3A_388 : memref<1x128x64xf32, #tpu.memory_space<vmem>> -> memref<128x64xf32, #tpu.memory_space<vmem>>
      tpu.enqueue_dma source(%dma_start3A_389 : memref<128x64xf32, #tpu.memory_space<vmem>>) target(%dma_start3A_385 : memref<128x64xf32, #tpu.memory_space<hbm>>) target_semaphore(%arg20 : memref<!tpu.dma_semaphore, #tpu.memory_space<semaphore_mem>>)
      %mul3A_390 = arith.constant 8 : i32
      %mul3A_391 = arith.muli %scan3A_158, %mul3A_390 : i32
      %add3A_392 = arith.constant 6 : i32
      %add3A_393 = arith.addi %mul3A_391, %add3A_392 : i32
      %add3A_394 = arith.constant 4 : i32
      %add3A_395 = arith.addi %add3A_393, %add3A_394 : i32
      %lt3A_396 = arith.constant 200 : i32
      %lt3A_397 = arith.cmpi slt, %add3A_395, %lt3A_396 : i32
      %convert_element_type3A_398 = arith.extui %lt3A_397 : i1 to i32
      %cond3A_399 = arith.constant 0 : i32
      %cond3A_400 = arith.cmpi ne, %convert_element_type3A_398, %cond3A_399 : i32
      scf.if %cond3A_400 {
        %ge3A = arith.constant 4 : i32
        %ge3A_468 = arith.cmpi sge, %add3A_393, %ge3A : i32
        %convert_element_type3A_469 = arith.extui %ge3A_468 : i1 to i32
        %cond3A_470 = arith.constant 0 : i32
        %cond3A_471 = arith.cmpi ne, %convert_element_type3A_469, %cond3A_470 : i32
        scf.if %cond3A_471 {
          %dma_wait3A_485 = arith.constant 2 : i32
          %dma_wait3A_486 = arith.constant 0 : i32
          %dma_wait3A_487 = arith.constant 0 : i32
          %dma_wait3A_488 = tpu.memref_slice %arg6[%dma_wait3A_485, %dma_wait3A_486, %dma_wait3A_487] : memref<8x128x64xf32, #tpu.memory_space<vmem>> -> memref<1x128x64xf32, #tpu.memory_space<vmem>>
          %dma_wait3A_489 = tpu.memref_squeeze %dma_wait3A_488 : memref<1x128x64xf32, #tpu.memory_space<vmem>> -> memref<128x64xf32, #tpu.memory_space<vmem>>
          %dma_wait3A_490 = arith.constant 0 : i32
          %dma_wait3A_491 = tpu.memref_slice %arg4[%mul3A_2, %dma_wait3A_490] : memref<819200x64xf32, #tpu.memory_space<hbm>> -> memref<128x64xf32, #tpu.memory_space<hbm>>
          %dma_wait3A_492 = arith.constant 0 : i32
          %dma_wait3A_493 = tpu.memref_slice %arg4[%mul3A_2, %dma_wait3A_492] : memref<819200x64xf32, #tpu.memory_space<hbm>> -> memref<128x64xf32, #tpu.memory_space<hbm>>
          %dma_wait3A_494 = arith.constant 0 : i32
          %dma_wait3A_495 = arith.constant 0 : i32
          %dma_wait3A_496 = tpu.memref_slice %arg6[%dma_wait3A_485, %dma_wait3A_494, %dma_wait3A_495] : memref<8x128x64xf32, #tpu.memory_space<vmem>> -> memref<1x128x64xf32, #tpu.memory_space<vmem>>
          %dma_wait3A_497 = tpu.memref_squeeze %dma_wait3A_496 : memref<1x128x64xf32, #tpu.memory_space<vmem>> -> memref<128x64xf32, #tpu.memory_space<vmem>>
          tpu.wait_dma2 semaphore(%arg17 : memref<!tpu.dma_semaphore, #tpu.memory_space<semaphore_mem>>) src(%dma_wait3A_497 : memref<128x64xf32, #tpu.memory_space<vmem>>) dst(%dma_wait3A_493 : memref<128x64xf32, #tpu.memory_space<hbm>>)
        } else {
        }
        %add3A_472 = arith.constant 4 : i32
        %add3A_473 = arith.addi %add3A_393, %add3A_472 : i32
        %dma_start3A_474 = arith.constant 2 : i32
        %dma_start3A_475 = arith.constant 0 : i32
        %dma_start3A_476 = arith.constant 0 : i32
        %dma_start3A_477 = tpu.memref_slice %arg6[%dma_start3A_474, %dma_start3A_475, %dma_start3A_476] : memref<8x128x64xf32, #tpu.memory_space<vmem>> -> memref<1x128x64xf32, #tpu.memory_space<vmem>>
        %dma_start3A_478 = tpu.memref_squeeze %dma_start3A_477 : memref<1x128x64xf32, #tpu.memory_space<vmem>> -> memref<128x64xf32, #tpu.memory_space<vmem>>
        %dma_start3A_479 = arith.constant 0 : i32
        %dma_start3A_480 = tpu.memref_slice %arg5[%add3A_473, %dma_start3A_479] : memref<200x128xi32, #tpu.memory_space<vmem>> -> memref<1x128xi32, #tpu.memory_space<vmem>>
        %dma_start3A_481 = tpu.memref_squeeze %dma_start3A_480 : memref<1x128xi32, #tpu.memory_space<vmem>> -> memref<128xi32, #tpu.memory_space<vmem>>
        %dma_start3A_482 = arith.constant 0 : i32
        %dma_start3A_483 = arith.constant 0 : i32
        %dma_start3A_484 = tpu.memref_slice %arg3[%dma_start3A_482, %dma_start3A_483] : memref<1000000x64xf32, #tpu.memory_space<hbm>> -> memref<1000000x64xf32, #tpu.memory_space<hbm>>
        tpu.enqueue_indirect_dma source(%dma_start3A_484 : memref<1000000x64xf32, #tpu.memory_space<hbm>>) target(%dma_start3A_478 : memref<128x64xf32, #tpu.memory_space<vmem>>) offsets(%dma_start3A_481 : memref<128xi32, #tpu.memory_space<vmem>>) semaphore(%arg9 : memref<!tpu.dma_semaphore, #tpu.memory_space<semaphore_mem>>)
      } else {
      }
      %dma_wait3A_401 = arith.constant 0 : i32
      %dma_wait3A_402 = arith.constant 6 : i32
      %dma_wait3A_403 = arith.constant 0 : i32
      %dma_wait3A_404 = arith.constant 0 : i32
      %dma_wait3A_405 = tpu.memref_slice %arg6[%dma_wait3A_402, %dma_wait3A_403, %dma_wait3A_404] : memref<8x128x64xf32, #tpu.memory_space<vmem>> -> memref<1x128x64xf32, #tpu.memory_space<vmem>>
      %dma_wait3A_406 = tpu.memref_squeeze %dma_wait3A_405 : memref<1x128x64xf32, #tpu.memory_space<vmem>> -> memref<128x64xf32, #tpu.memory_space<vmem>>
      %dma_wait3A_407 = arith.constant 0 : i32
      %dma_wait3A_408 = tpu.memref_slice %arg5[%dma_wait3A_401, %dma_wait3A_407] : memref<200x128xi32, #tpu.memory_space<vmem>> -> memref<1x128xi32, #tpu.memory_space<vmem>>
      %dma_wait3A_409 = tpu.memref_squeeze %dma_wait3A_408 : memref<1x128xi32, #tpu.memory_space<vmem>> -> memref<128xi32, #tpu.memory_space<vmem>>
      %dma_wait3A_410 = arith.constant 0 : i32
      %dma_wait3A_411 = arith.constant 0 : i32
      %dma_wait3A_412 = tpu.memref_slice %arg3[%dma_wait3A_410, %dma_wait3A_411] : memref<1000000x64xf32, #tpu.memory_space<hbm>> -> memref<1000000x64xf32, #tpu.memory_space<hbm>>
      tpu.wait_indirect_dma semaphore(%arg13 : memref<!tpu.dma_semaphore, #tpu.memory_space<semaphore_mem>>) src(%dma_wait3A_412 : memref<1000000x64xf32, #tpu.memory_space<hbm>>) dst(%dma_wait3A_406 : memref<128x64xf32, #tpu.memory_space<vmem>>)
      %mul3A_413 = arith.constant 128 : i32
      %mul3A_414 = arith.muli %add3A_393, %mul3A_413 : i32
      %add3A_415 = arith.addi %mul3A_2, %mul3A_414 : i32
      %dma_start3A_416 = arith.constant 6 : i32
      %dma_start3A_417 = arith.constant 0 : i32
      %dma_start3A_418 = arith.constant 0 : i32
      %dma_start3A_419 = tpu.memref_slice %arg6[%dma_start3A_416, %dma_start3A_417, %dma_start3A_418] : memref<8x128x64xf32, #tpu.memory_space<vmem>> -> memref<1x128x64xf32, #tpu.memory_space<vmem>>
      %dma_start3A_420 = tpu.memref_squeeze %dma_start3A_419 : memref<1x128x64xf32, #tpu.memory_space<vmem>> -> memref<128x64xf32, #tpu.memory_space<vmem>>
      %dma_start3A_421 = arith.constant 0 : i32
      %dma_start3A_422 = tpu.memref_slice %arg4[%add3A_415, %dma_start3A_421] : memref<819200x64xf32, #tpu.memory_space<hbm>> -> memref<128x64xf32, #tpu.memory_space<hbm>>
      %dma_start3A_423 = arith.constant 0 : i32
      %dma_start3A_424 = tpu.memref_slice %arg4[%add3A_415, %dma_start3A_423] : memref<819200x64xf32, #tpu.memory_space<hbm>> -> memref<128x64xf32, #tpu.memory_space<hbm>>
      %dma_start3A_425 = arith.constant 0 : i32
      %dma_start3A_426 = arith.constant 0 : i32
      %dma_start3A_427 = tpu.memref_slice %arg6[%dma_start3A_416, %dma_start3A_425, %dma_start3A_426] : memref<8x128x64xf32, #tpu.memory_space<vmem>> -> memref<1x128x64xf32, #tpu.memory_space<vmem>>
      %dma_start3A_428 = tpu.memref_squeeze %dma_start3A_427 : memref<1x128x64xf32, #tpu.memory_space<vmem>> -> memref<128x64xf32, #tpu.memory_space<vmem>>
      tpu.enqueue_dma source(%dma_start3A_428 : memref<128x64xf32, #tpu.memory_space<vmem>>) target(%dma_start3A_424 : memref<128x64xf32, #tpu.memory_space<hbm>>) target_semaphore(%arg21 : memref<!tpu.dma_semaphore, #tpu.memory_space<semaphore_mem>>)
      %mul3A_429 = arith.constant 8 : i32
      %mul3A_430 = arith.muli %scan3A_158, %mul3A_429 : i32
      %add3A_431 = arith.constant 7 : i32
      %add3A_432 = arith.addi %mul3A_430, %add3A_431 : i32
      %add3A_433 = arith.constant 4 : i32
      %add3A_434 = arith.addi %add3A_432, %add3A_433 : i32
      %lt3A_435 = arith.constant 200 : i32
      %lt3A_436 = arith.cmpi slt, %add3A_434, %lt3A_435 : i32
      %convert_element_type3A_437 = arith.extui %lt3A_436 : i1 to i32
      %cond3A_438 = arith.constant 0 : i32
      %cond3A_439 = arith.cmpi ne, %convert_element_type3A_437, %cond3A_438 : i32
      scf.if %cond3A_439 {
        %ge3A = arith.constant 4 : i32
        %ge3A_468 = arith.cmpi sge, %add3A_432, %ge3A : i32
        %convert_element_type3A_469 = arith.extui %ge3A_468 : i1 to i32
        %cond3A_470 = arith.constant 0 : i32
        %cond3A_471 = arith.cmpi ne, %convert_element_type3A_469, %cond3A_470 : i32
        scf.if %cond3A_471 {
          %dma_wait3A_485 = arith.constant 3 : i32
          %dma_wait3A_486 = arith.constant 0 : i32
          %dma_wait3A_487 = arith.constant 0 : i32
          %dma_wait3A_488 = tpu.memref_slice %arg6[%dma_wait3A_485, %dma_wait3A_486, %dma_wait3A_487] : memref<8x128x64xf32, #tpu.memory_space<vmem>> -> memref<1x128x64xf32, #tpu.memory_space<vmem>>
          %dma_wait3A_489 = tpu.memref_squeeze %dma_wait3A_488 : memref<1x128x64xf32, #tpu.memory_space<vmem>> -> memref<128x64xf32, #tpu.memory_space<vmem>>
          %dma_wait3A_490 = arith.constant 0 : i32
          %dma_wait3A_491 = tpu.memref_slice %arg4[%mul3A_2, %dma_wait3A_490] : memref<819200x64xf32, #tpu.memory_space<hbm>> -> memref<128x64xf32, #tpu.memory_space<hbm>>
          %dma_wait3A_492 = arith.constant 0 : i32
          %dma_wait3A_493 = tpu.memref_slice %arg4[%mul3A_2, %dma_wait3A_492] : memref<819200x64xf32, #tpu.memory_space<hbm>> -> memref<128x64xf32, #tpu.memory_space<hbm>>
          %dma_wait3A_494 = arith.constant 0 : i32
          %dma_wait3A_495 = arith.constant 0 : i32
          %dma_wait3A_496 = tpu.memref_slice %arg6[%dma_wait3A_485, %dma_wait3A_494, %dma_wait3A_495] : memref<8x128x64xf32, #tpu.memory_space<vmem>> -> memref<1x128x64xf32, #tpu.memory_space<vmem>>
          %dma_wait3A_497 = tpu.memref_squeeze %dma_wait3A_496 : memref<1x128x64xf32, #tpu.memory_space<vmem>> -> memref<128x64xf32, #tpu.memory_space<vmem>>
          tpu.wait_dma2 semaphore(%arg18 : memref<!tpu.dma_semaphore, #tpu.memory_space<semaphore_mem>>) src(%dma_wait3A_497 : memref<128x64xf32, #tpu.memory_space<vmem>>) dst(%dma_wait3A_493 : memref<128x64xf32, #tpu.memory_space<hbm>>)
        } else {
        }
        %add3A_472 = arith.constant 4 : i32
        %add3A_473 = arith.addi %add3A_432, %add3A_472 : i32
        %dma_start3A_474 = arith.constant 3 : i32
        %dma_start3A_475 = arith.constant 0 : i32
        %dma_start3A_476 = arith.constant 0 : i32
        %dma_start3A_477 = tpu.memref_slice %arg6[%dma_start3A_474, %dma_start3A_475, %dma_start3A_476] : memref<8x128x64xf32, #tpu.memory_space<vmem>> -> memref<1x128x64xf32, #tpu.memory_space<vmem>>
        %dma_start3A_478 = tpu.memref_squeeze %dma_start3A_477 : memref<1x128x64xf32, #tpu.memory_space<vmem>> -> memref<128x64xf32, #tpu.memory_space<vmem>>
        %dma_start3A_479 = arith.constant 0 : i32
        %dma_start3A_480 = tpu.memref_slice %arg5[%add3A_473, %dma_start3A_479] : memref<200x128xi32, #tpu.memory_space<vmem>> -> memref<1x128xi32, #tpu.memory_space<vmem>>
        %dma_start3A_481 = tpu.memref_squeeze %dma_start3A_480 : memref<1x128xi32, #tpu.memory_space<vmem>> -> memref<128xi32, #tpu.memory_space<vmem>>
        %dma_start3A_482 = arith.constant 0 : i32
        %dma_start3A_483 = arith.constant 0 : i32
        %dma_start3A_484 = tpu.memref_slice %arg3[%dma_start3A_482, %dma_start3A_483] : memref<1000000x64xf32, #tpu.memory_space<hbm>> -> memref<1000000x64xf32, #tpu.memory_space<hbm>>
        tpu.enqueue_indirect_dma source(%dma_start3A_484 : memref<1000000x64xf32, #tpu.memory_space<hbm>>) target(%dma_start3A_478 : memref<128x64xf32, #tpu.memory_space<vmem>>) offsets(%dma_start3A_481 : memref<128xi32, #tpu.memory_space<vmem>>) semaphore(%arg10 : memref<!tpu.dma_semaphore, #tpu.memory_space<semaphore_mem>>)
      } else {
      }
      %dma_wait3A_440 = arith.constant 0 : i32
      %dma_wait3A_441 = arith.constant 7 : i32
      %dma_wait3A_442 = arith.constant 0 : i32
      %dma_wait3A_443 = arith.constant 0 : i32
      %dma_wait3A_444 = tpu.memref_slice %arg6[%dma_wait3A_441, %dma_wait3A_442, %dma_wait3A_443] : memref<8x128x64xf32, #tpu.memory_space<vmem>> -> memref<1x128x64xf32, #tpu.memory_space<vmem>>
      %dma_wait3A_445 = tpu.memref_squeeze %dma_wait3A_444 : memref<1x128x64xf32, #tpu.memory_space<vmem>> -> memref<128x64xf32, #tpu.memory_space<vmem>>
      %dma_wait3A_446 = arith.constant 0 : i32
      %dma_wait3A_447 = tpu.memref_slice %arg5[%dma_wait3A_440, %dma_wait3A_446] : memref<200x128xi32, #tpu.memory_space<vmem>> -> memref<1x128xi32, #tpu.memory_space<vmem>>
      %dma_wait3A_448 = tpu.memref_squeeze %dma_wait3A_447 : memref<1x128xi32, #tpu.memory_space<vmem>> -> memref<128xi32, #tpu.memory_space<vmem>>
      %dma_wait3A_449 = arith.constant 0 : i32
      %dma_wait3A_450 = arith.constant 0 : i32
      %dma_wait3A_451 = tpu.memref_slice %arg3[%dma_wait3A_449, %dma_wait3A_450] : memref<1000000x64xf32, #tpu.memory_space<hbm>> -> memref<1000000x64xf32, #tpu.memory_space<hbm>>
      tpu.wait_indirect_dma semaphore(%arg14 : memref<!tpu.dma_semaphore, #tpu.memory_space<semaphore_mem>>) src(%dma_wait3A_451 : memref<1000000x64xf32, #tpu.memory_space<hbm>>) dst(%dma_wait3A_445 : memref<128x64xf32, #tpu.memory_space<vmem>>)
      %mul3A_452 = arith.constant 128 : i32
      %mul3A_453 = arith.muli %add3A_432, %mul3A_452 : i32
      %add3A_454 = arith.addi %mul3A_2, %mul3A_453 : i32
      %dma_start3A_455 = arith.constant 7 : i32
      %dma_start3A_456 = arith.constant 0 : i32
      %dma_start3A_457 = arith.constant 0 : i32
      %dma_start3A_458 = tpu.memref_slice %arg6[%dma_start3A_455, %dma_start3A_456, %dma_start3A_457] : memref<8x128x64xf32, #tpu.memory_space<vmem>> -> memref<1x128x64xf32, #tpu.memory_space<vmem>>
      %dma_start3A_459 = tpu.memref_squeeze %dma_start3A_458 : memref<1x128x64xf32, #tpu.memory_space<vmem>> -> memref<128x64xf32, #tpu.memory_space<vmem>>
      %dma_start3A_460 = arith.constant 0 : i32
      %dma_start3A_461 = tpu.memref_slice %arg4[%add3A_454, %dma_start3A_460] : memref<819200x64xf32, #tpu.memory_space<hbm>> -> memref<128x64xf32, #tpu.memory_space<hbm>>
      %dma_start3A_462 = arith.constant 0 : i32
      %dma_start3A_463 = tpu.memref_slice %arg4[%add3A_454, %dma_start3A_462] : memref<819200x64xf32, #tpu.memory_space<hbm>> -> memref<128x64xf32, #tpu.memory_space<hbm>>
      %dma_start3A_464 = arith.constant 0 : i32
      %dma_start3A_465 = arith.constant 0 : i32
      %dma_start3A_466 = tpu.memref_slice %arg6[%dma_start3A_455, %dma_start3A_464, %dma_start3A_465] : memref<8x128x64xf32, #tpu.memory_space<vmem>> -> memref<1x128x64xf32, #tpu.memory_space<vmem>>
      %dma_start3A_467 = tpu.memref_squeeze %dma_start3A_466 : memref<1x128x64xf32, #tpu.memory_space<vmem>> -> memref<128x64xf32, #tpu.memory_space<vmem>>
      tpu.enqueue_dma source(%dma_start3A_467 : memref<128x64xf32, #tpu.memory_space<vmem>>) target(%dma_start3A_463 : memref<128x64xf32, #tpu.memory_space<hbm>>) target_semaphore(%arg22 : memref<!tpu.dma_semaphore, #tpu.memory_space<semaphore_mem>>)
    }
    %scan3A_54 = arith.constant 25 : i32
    %dma_wait3A = arith.constant 0 : i32
    %dma_wait3A_55 = arith.constant 0 : i32
    %dma_wait3A_56 = arith.constant 0 : i32
    %dma_wait3A_57 = tpu.memref_slice %arg6[%dma_wait3A, %dma_wait3A_55, %dma_wait3A_56] : memref<8x128x64xf32, #tpu.memory_space<vmem>> -> memref<1x128x64xf32, #tpu.memory_space<vmem>>
    %dma_wait3A_58 = tpu.memref_squeeze %dma_wait3A_57 : memref<1x128x64xf32, #tpu.memory_space<vmem>> -> memref<128x64xf32, #tpu.memory_space<vmem>>
    %dma_wait3A_59 = arith.constant 0 : i32
    %dma_wait3A_60 = tpu.memref_slice %arg4[%mul3A_2, %dma_wait3A_59] : memref<819200x64xf32, #tpu.memory_space<hbm>> -> memref<128x64xf32, #tpu.memory_space<hbm>>
    %dma_wait3A_61 = arith.constant 0 : i32
    %dma_wait3A_62 = tpu.memref_slice %arg4[%mul3A_2, %dma_wait3A_61] : memref<819200x64xf32, #tpu.memory_space<hbm>> -> memref<128x64xf32, #tpu.memory_space<hbm>>
    %dma_wait3A_63 = arith.constant 0 : i32
    %dma_wait3A_64 = arith.constant 0 : i32
    %dma_wait3A_65 = tpu.memref_slice %arg6[%dma_wait3A, %dma_wait3A_63, %dma_wait3A_64] : memref<8x128x64xf32, #tpu.memory_space<vmem>> -> memref<1x128x64xf32, #tpu.memory_space<vmem>>
    %dma_wait3A_66 = tpu.memref_squeeze %dma_wait3A_65 : memref<1x128x64xf32, #tpu.memory_space<vmem>> -> memref<128x64xf32, #tpu.memory_space<vmem>>
    tpu.wait_dma2 semaphore(%arg15 : memref<!tpu.dma_semaphore, #tpu.memory_space<semaphore_mem>>) src(%dma_wait3A_66 : memref<128x64xf32, #tpu.memory_space<vmem>>) dst(%dma_wait3A_62 : memref<128x64xf32, #tpu.memory_space<hbm>>)
    %dma_wait3A_67 = arith.constant 1 : i32
    %dma_wait3A_68 = arith.constant 0 : i32
    %dma_wait3A_69 = arith.constant 0 : i32
    %dma_wait3A_70 = tpu.memref_slice %arg6[%dma_wait3A_67, %dma_wait3A_68, %dma_wait3A_69] : memref<8x128x64xf32, #tpu.memory_space<vmem>> -> memref<1x128x64xf32, #tpu.memory_space<vmem>>
    %dma_wait3A_71 = tpu.memref_squeeze %dma_wait3A_70 : memref<1x128x64xf32, #tpu.memory_space<vmem>> -> memref<128x64xf32, #tpu.memory_space<vmem>>
    %dma_wait3A_72 = arith.constant 0 : i32
    %dma_wait3A_73 = tpu.memref_slice %arg4[%mul3A_2, %dma_wait3A_72] : memref<819200x64xf32, #tpu.memory_space<hbm>> -> memref<128x64xf32, #tpu.memory_space<hbm>>
    %dma_wait3A_74 = arith.constant 0 : i32
    %dma_wait3A_75 = tpu.memref_slice %arg4[%mul3A_2, %dma_wait3A_74] : memref<819200x64xf32, #tpu.memory_space<hbm>> -> memref<128x64xf32, #tpu.memory_space<hbm>>
    %dma_wait3A_76 = arith.constant 0 : i32
    %dma_wait3A_77 = arith.constant 0 : i32
    %dma_wait3A_78 = tpu.memref_slice %arg6[%dma_wait3A_67, %dma_wait3A_76, %dma_wait3A_77] : memref<8x128x64xf32, #tpu.memory_space<vmem>> -> memref<1x128x64xf32, #tpu.memory_space<vmem>>
    %dma_wait3A_79 = tpu.memref_squeeze %dma_wait3A_78 : memref<1x128x64xf32, #tpu.memory_space<vmem>> -> memref<128x64xf32, #tpu.memory_space<vmem>>
    tpu.wait_dma2 semaphore(%arg16 : memref<!tpu.dma_semaphore, #tpu.memory_space<semaphore_mem>>) src(%dma_wait3A_79 : memref<128x64xf32, #tpu.memory_space<vmem>>) dst(%dma_wait3A_75 : memref<128x64xf32, #tpu.memory_space<hbm>>)
    %dma_wait3A_80 = arith.constant 2 : i32
    %dma_wait3A_81 = arith.constant 0 : i32
    %dma_wait3A_82 = arith.constant 0 : i32
    %dma_wait3A_83 = tpu.memref_slice %arg6[%dma_wait3A_80, %dma_wait3A_81, %dma_wait3A_82] : memref<8x128x64xf32, #tpu.memory_space<vmem>> -> memref<1x128x64xf32, #tpu.memory_space<vmem>>
    %dma_wait3A_84 = tpu.memref_squeeze %dma_wait3A_83 : memref<1x128x64xf32, #tpu.memory_space<vmem>> -> memref<128x64xf32, #tpu.memory_space<vmem>>
    %dma_wait3A_85 = arith.constant 0 : i32
    %dma_wait3A_86 = tpu.memref_slice %arg4[%mul3A_2, %dma_wait3A_85] : memref<819200x64xf32, #tpu.memory_space<hbm>> -> memref<128x64xf32, #tpu.memory_space<hbm>>
    %dma_wait3A_87 = arith.constant 0 : i32
    %dma_wait3A_88 = tpu.memref_slice %arg4[%mul3A_2, %dma_wait3A_87] : memref<819200x64xf32, #tpu.memory_space<hbm>> -> memref<128x64xf32, #tpu.memory_space<hbm>>
    %dma_wait3A_89 = arith.constant 0 : i32
    %dma_wait3A_90 = arith.constant 0 : i32
    %dma_wait3A_91 = tpu.memref_slice %arg6[%dma_wait3A_80, %dma_wait3A_89, %dma_wait3A_90] : memref<8x128x64xf32, #tpu.memory_space<vmem>> -> memref<1x128x64xf32, #tpu.memory_space<vmem>>
    %dma_wait3A_92 = tpu.memref_squeeze %dma_wait3A_91 : memref<1x128x64xf32, #tpu.memory_space<vmem>> -> memref<128x64xf32, #tpu.memory_space<vmem>>
    tpu.wait_dma2 semaphore(%arg17 : memref<!tpu.dma_semaphore, #tpu.memory_space<semaphore_mem>>) src(%dma_wait3A_92 : memref<128x64xf32, #tpu.memory_space<vmem>>) dst(%dma_wait3A_88 : memref<128x64xf32, #tpu.memory_space<hbm>>)
    %dma_wait3A_93 = arith.constant 3 : i32
    %dma_wait3A_94 = arith.constant 0 : i32
    %dma_wait3A_95 = arith.constant 0 : i32
    %dma_wait3A_96 = tpu.memref_slice %arg6[%dma_wait3A_93, %dma_wait3A_94, %dma_wait3A_95] : memref<8x128x64xf32, #tpu.memory_space<vmem>> -> memref<1x128x64xf32, #tpu.memory_space<vmem>>
    %dma_wait3A_97 = tpu.memref_squeeze %dma_wait3A_96 : memref<1x128x64xf32, #tpu.memory_space<vmem>> -> memref<128x64xf32, #tpu.memory_space<vmem>>
    %dma_wait3A_98 = arith.constant 0 : i32
    %dma_wait3A_99 = tpu.memref_slice %arg4[%mul3A_2, %dma_wait3A_98] : memref<819200x64xf32, #tpu.memory_space<hbm>> -> memref<128x64xf32, #tpu.memory_space<hbm>>
    %dma_wait3A_100 = arith.constant 0 : i32
    %dma_wait3A_101 = tpu.memref_slice %arg4[%mul3A_2, %dma_wait3A_100] : memref<819200x64xf32, #tpu.memory_space<hbm>> -> memref<128x64xf32, #tpu.memory_space<hbm>>
    %dma_wait3A_102 = arith.constant 0 : i32
    %dma_wait3A_103 = arith.constant 0 : i32
    %dma_wait3A_104 = tpu.memref_slice %arg6[%dma_wait3A_93, %dma_wait3A_102, %dma_wait3A_103] : memref<8x128x64xf32, #tpu.memory_space<vmem>> -> memref<1x128x64xf32, #tpu.memory_space<vmem>>
    %dma_wait3A_105 = tpu.memref_squeeze %dma_wait3A_104 : memref<1x128x64xf32, #tpu.memory_space<vmem>> -> memref<128x64xf32, #tpu.memory_space<vmem>>
    tpu.wait_dma2 semaphore(%arg18 : memref<!tpu.dma_semaphore, #tpu.memory_space<semaphore_mem>>) src(%dma_wait3A_105 : memref<128x64xf32, #tpu.memory_space<vmem>>) dst(%dma_wait3A_101 : memref<128x64xf32, #tpu.memory_space<hbm>>)
    %dma_wait3A_106 = arith.constant 4 : i32
    %dma_wait3A_107 = arith.constant 0 : i32
    %dma_wait3A_108 = arith.constant 0 : i32
    %dma_wait3A_109 = tpu.memref_slice %arg6[%dma_wait3A_106, %dma_wait3A_107, %dma_wait3A_108] : memref<8x128x64xf32, #tpu.memory_space<vmem>> -> memref<1x128x64xf32, #tpu.memory_space<vmem>>
    %dma_wait3A_110 = tpu.memref_squeeze %dma_wait3A_109 : memref<1x128x64xf32, #tpu.memory_space<vmem>> -> memref<128x64xf32, #tpu.memory_space<vmem>>
    %dma_wait3A_111 = arith.constant 0 : i32
    %dma_wait3A_112 = tpu.memref_slice %arg4[%mul3A_2, %dma_wait3A_111] : memref<819200x64xf32, #tpu.memory_space<hbm>> -> memref<128x64xf32, #tpu.memory_space<hbm>>
    %dma_wait3A_113 = arith.constant 0 : i32
    %dma_wait3A_114 = tpu.memref_slice %arg4[%mul3A_2, %dma_wait3A_113] : memref<819200x64xf32, #tpu.memory_space<hbm>> -> memref<128x64xf32, #tpu.memory_space<hbm>>
    %dma_wait3A_115 = arith.constant 0 : i32
    %dma_wait3A_116 = arith.constant 0 : i32
    %dma_wait3A_117 = tpu.memref_slice %arg6[%dma_wait3A_106, %dma_wait3A_115, %dma_wait3A_116] : memref<8x128x64xf32, #tpu.memory_space<vmem>> -> memref<1x128x64xf32, #tpu.memory_space<vmem>>
    %dma_wait3A_118 = tpu.memref_squeeze %dma_wait3A_117 : memref<1x128x64xf32, #tpu.memory_space<vmem>> -> memref<128x64xf32, #tpu.memory_space<vmem>>
    tpu.wait_dma2 semaphore(%arg19 : memref<!tpu.dma_semaphore, #tpu.memory_space<semaphore_mem>>) src(%dma_wait3A_118 : memref<128x64xf32, #tpu.memory_space<vmem>>) dst(%dma_wait3A_114 : memref<128x64xf32, #tpu.memory_space<hbm>>)
    %dma_wait3A_119 = arith.constant 5 : i32
    %dma_wait3A_120 = arith.constant 0 : i32
    %dma_wait3A_121 = arith.constant 0 : i32
    %dma_wait3A_122 = tpu.memref_slice %arg6[%dma_wait3A_119, %dma_wait3A_120, %dma_wait3A_121] : memref<8x128x64xf32, #tpu.memory_space<vmem>> -> memref<1x128x64xf32, #tpu.memory_space<vmem>>
    %dma_wait3A_123 = tpu.memref_squeeze %dma_wait3A_122 : memref<1x128x64xf32, #tpu.memory_space<vmem>> -> memref<128x64xf32, #tpu.memory_space<vmem>>
    %dma_wait3A_124 = arith.constant 0 : i32
    %dma_wait3A_125 = tpu.memref_slice %arg4[%mul3A_2, %dma_wait3A_124] : memref<819200x64xf32, #tpu.memory_space<hbm>> -> memref<128x64xf32, #tpu.memory_space<hbm>>
    %dma_wait3A_126 = arith.constant 0 : i32
    %dma_wait3A_127 = tpu.memref_slice %arg4[%mul3A_2, %dma_wait3A_126] : memref<819200x64xf32, #tpu.memory_space<hbm>> -> memref<128x64xf32, #tpu.memory_space<hbm>>
    %dma_wait3A_128 = arith.constant 0 : i32
    %dma_wait3A_129 = arith.constant 0 : i32
    %dma_wait3A_130 = tpu.memref_slice %arg6[%dma_wait3A_119, %dma_wait3A_128, %dma_wait3A_129] : memref<8x128x64xf32, #tpu.memory_space<vmem>> -> memref<1x128x64xf32, #tpu.memory_space<vmem>>
    %dma_wait3A_131 = tpu.memref_squeeze %dma_wait3A_130 : memref<1x128x64xf32, #tpu.memory_space<vmem>> -> memref<128x64xf32, #tpu.memory_space<vmem>>
    tpu.wait_dma2 semaphore(%arg20 : memref<!tpu.dma_semaphore, #tpu.memory_space<semaphore_mem>>) src(%dma_wait3A_131 : memref<128x64xf32, #tpu.memory_space<vmem>>) dst(%dma_wait3A_127 : memref<128x64xf32, #tpu.memory_space<hbm>>)
    %dma_wait3A_132 = arith.constant 6 : i32
    %dma_wait3A_133 = arith.constant 0 : i32
    %dma_wait3A_134 = arith.constant 0 : i32
    %dma_wait3A_135 = tpu.memref_slice %arg6[%dma_wait3A_132, %dma_wait3A_133, %dma_wait3A_134] : memref<8x128x64xf32, #tpu.memory_space<vmem>> -> memref<1x128x64xf32, #tpu.memory_space<vmem>>
    %dma_wait3A_136 = tpu.memref_squeeze %dma_wait3A_135 : memref<1x128x64xf32, #tpu.memory_space<vmem>> -> memref<128x64xf32, #tpu.memory_space<vmem>>
    %dma_wait3A_137 = arith.constant 0 : i32
    %dma_wait3A_138 = tpu.memref_slice %arg4[%mul3A_2, %dma_wait3A_137] : memref<819200x64xf32, #tpu.memory_space<hbm>> -> memref<128x64xf32, #tpu.memory_space<hbm>>
    %dma_wait3A_139 = arith.constant 0 : i32
    %dma_wait3A_140 = tpu.memref_slice %arg4[%mul3A_2, %dma_wait3A_139] : memref<819200x64xf32, #tpu.memory_space<hbm>> -> memref<128x64xf32, #tpu.memory_space<hbm>>
    %dma_wait3A_141 = arith.constant 0 : i32
    %dma_wait3A_142 = arith.constant 0 : i32
    %dma_wait3A_143 = tpu.memref_slice %arg6[%dma_wait3A_132, %dma_wait3A_141, %dma_wait3A_142] : memref<8x128x64xf32, #tpu.memory_space<vmem>> -> memref<1x128x64xf32, #tpu.memory_space<vmem>>
    %dma_wait3A_144 = tpu.memref_squeeze %dma_wait3A_143 : memref<1x128x64xf32, #tpu.memory_space<vmem>> -> memref<128x64xf32, #tpu.memory_space<vmem>>
    tpu.wait_dma2 semaphore(%arg21 : memref<!tpu.dma_semaphore, #tpu.memory_space<semaphore_mem>>) src(%dma_wait3A_144 : memref<128x64xf32, #tpu.memory_space<vmem>>) dst(%dma_wait3A_140 : memref<128x64xf32, #tpu.memory_space<hbm>>)
    %dma_wait3A_145 = arith.constant 7 : i32
    %dma_wait3A_146 = arith.constant 0 : i32
    %dma_wait3A_147 = arith.constant 0 : i32
    %dma_wait3A_148 = tpu.memref_slice %arg6[%dma_wait3A_145, %dma_wait3A_146, %dma_wait3A_147] : memref<8x128x64xf32, #tpu.memory_space<vmem>> -> memref<1x128x64xf32, #tpu.memory_space<vmem>>
    %dma_wait3A_149 = tpu.memref_squeeze %dma_wait3A_148 : memref<1x128x64xf32, #tpu.memory_space<vmem>> -> memref<128x64xf32, #tpu.memory_space<vmem>>
    %dma_wait3A_150 = arith.constant 0 : i32
    %dma_wait3A_151 = tpu.memref_slice %arg4[%mul3A_2, %dma_wait3A_150] : memref<819200x64xf32, #tpu.memory_space<hbm>> -> memref<128x64xf32, #tpu.memory_space<hbm>>
    %dma_wait3A_152 = arith.constant 0 : i32
    %dma_wait3A_153 = tpu.memref_slice %arg4[%mul3A_2, %dma_wait3A_152] : memref<819200x64xf32, #tpu.memory_space<hbm>> -> memref<128x64xf32, #tpu.memory_space<hbm>>
    %dma_wait3A_154 = arith.constant 0 : i32
    %dma_wait3A_155 = arith.constant 0 : i32
    %dma_wait3A_156 = tpu.memref_slice %arg6[%dma_wait3A_145, %dma_wait3A_154, %dma_wait3A_155] : memref<8x128x64xf32, #tpu.memory_space<vmem>> -> memref<1x128x64xf32, #tpu.memory_space<vmem>>
    %dma_wait3A_157 = tpu.memref_squeeze %dma_wait3A_156 : memref<1x128x64xf32, #tpu.memory_space<vmem>> -> memref<128x64xf32, #tpu.memory_space<vmem>>
    tpu.wait_dma2 semaphore(%arg22 : memref<!tpu.dma_semaphore, #tpu.memory_space<semaphore_mem>>) src(%dma_wait3A_157 : memref<128x64xf32, #tpu.memory_space<vmem>>) dst(%dma_wait3A_153 : memref<128x64xf32, #tpu.memory_space<hbm>>)
    return
  }
}

</mosaic_0001>

<sc_bundles>
// kernel: kernel.3.cloned.1.call-start
scs
__scs_entry_jumppad:
0x0: {  	(pc) =	sbr.rel $0x88, $3  }
0x1: {  	(tag) =	ssettag $0x0;
	lr =	simm.s32 $0x1  }
0x2: {  	[smem:$0x3F9F] =	sst lr;
	_ =	strace $0xD0000000  }
0x3: {  	_ = 	snop  }
0x4: {  	_ = 	snop  }
0x5: {  	_ = 	snop  }
0x6: {  	_ = 	snop  }
0x7: {  	_ = 	snop  }
__scs_overlays_trampoline_lowered:
0x8: {  	[smem:$0x3FAE] =	sst s0  }
0x9: {  	[smem:$0x3FAF] =	sst s1  }
0xa: {  	[smem:$0x3FB0] =	sst s2  }
0xb: {  	[smem:$0x3FB1] =	sst s3  }
0xc: {  	[smem:$0x3FB2] =	sst s4  }
0xd: {  	[smem:$0x3FB3] =	sst s5  }
0xe: {  	[smem:$0x3FB4] =	sst s6  }
0xf: {  	[smem:$0x3FB5] =	sst s7  }
0x10: {  	[smem:$0x3FB6] =	sst s8  }
0x11: {  	[smem:$0x3FB7] =	sst s9;
	s0 =	simm.s32 @!p0 $0x0  }
0x12: {  	s1 =	sld [smem:$0x3F9D];
	s0 =	simm.s32 @p0 $0x1  }
0x13: {  	[smem:$0x3FB8] =	sst s0;
	s0 =	simm.s32 @!p1 $0x0  }
0x14: {  	s2 =	sld [smem:$0x3F9C];
	s0 =	simm.s32 @p1 $0x1  }
0x15: {  	[smem:$0x3FB9] =	sst s0;
	s0 =	simm.s32 @!p2 $0x0  }
0x16: {  	s3 =	sld [smem:$0x3FDB];
	s0 =	simm.s32 @p2 $0x1  }
0x17: {  	s4 =	simm.s32 $0x1BF5;
	[smem:$0x3FBB] =	sst s0  }
0x18: {  	s0 =	sld [smem:$0x3F9E];
	_ =	swait.ge [sflag:s4], $0x0  }
0x19: {  	s7 =	sld [smem:$0x3F9F]  }
0x1a: {  	s8 =	sadd.s32 $0xFFFFE003, lr  }
0x1b: {  	s9 =	sadd.s32 $0xFFFFFEF7, lr;
	s5 =	simm.s32 $0xFFFFFFFF;
	p2 =	slt.u32 s8, $0xFFFFF086  }
0x1c: {  	p1 =	slt.u32 s9, $0xF7A;
	s5 =	simm.s32 @!p2 $0x0  }
0x1d: {  	s5 =	simm.s32 @p1 $0x1;
	p0 =	seq.s32 s7, s2  }
0x1e: {  	s7 =	smul.u32 @!p0 $0xF7A, s2;
	p2 =	seq.s32 @!p0 s5, $0x0  }
0x1f: {  	s9 =	smul.u32 $0xF7A, s1;
	s8 =	simm.s32 @!p0 $0x1BF5;
	p2 =	por !p2, p0  }
0x20: {  	[sflag:s8] =	ssyncset.s32 @!p0 $0xFFFFF086;
	s6 =	sadd.s32 @!p0 s3, s7;
	s7 =	simm.s32 @!p0 $0x108  }
0x21: {  	s3 =	sadd.s32 s3, s9;
	s6 =	sadd.s32 @!p0 $0x88, s6;
	s7 =	simm.s32 @p2 $0x1082  }
0x22: {  	[simem:s7], [sflag:s8] =	dma.local @!p0 [hbm:s6], $0xF7A  }
0x23: {  	s9 =	sor.u32 $0xD0000000, s2;
	s6 =	simm.s32 $0x108;
	_ =	swait.ge @!p0 [sflag:s8], $0x0  }
0x24: {  	s3 =	sadd.s32 $0x88, s3;
	s6 =	simm.s32 @!p1 $0x1082;
	[sflag:s4] =	ssyncset.s32 $0xFFFFF086  }
0x25: {  	[simem:s6], [sflag:s4] =	dma.local [hbm:s3], $0xF7A  }
0x26: {  	[smem:$0x3F9F] =	sst s1;
	(tag) =	ssettag s2;
	_ =	strace s9  }
0x27: {  	s1 =	sld [smem:$0x3FAF]  }
0x28: {  	s2 =	sld [smem:$0x3FB0]  }
0x29: {  	s4 =	sld [smem:$0x3FB2]  }
0x2a: {  	p0 =	seq.s32 s5, $0x0;
	s5 =	sld [smem:$0x3FB3]  }
0x2b: {  	s6 =	sld [smem:$0x3FB4]  }
0x2c: {  	s7 =	sld [smem:$0x3FB5]  }
0x2d: {  	s3 =	simm.s32 $0x108;
	s8 =	sld [smem:$0x3FB6]  }
0x2e: {  	s3 =	simm.s32 @!p0 $0x1082;
	s9 =	sld [smem:$0x3FB7]  }
0x2f: {  	lr =	sadd.s32 s0, s3;
	s0 =	sld [smem:$0x3FAE]  }
0x30: {  	s3 =	sld [smem:$0x3FB1]  }
0x31: {  	[smem:$0x3FBA] =	sst s10  }
0x32: {  	s10 =	sld [smem:$0x3FB8];
	_ =	sdelay $0x3  }
0x33: {  	p0 =	seq.s32 s10, $0x1;
	s10 =	sld [smem:$0x3FBA];
	_ =	sdelay $0x3  }
0x34: {  	[smem:$0x3FBA] =	sst s10  }
0x35: {  	s10 =	sld [smem:$0x3FB9];
	_ =	sdelay $0x3  }
0x36: {  	p1 =	seq.s32 s10, $0x1;
	s10 =	sld [smem:$0x3FBA];
	_ =	sdelay $0x3  }
0x37: {  	[smem:$0x3FBA] =	sst s10  }
0x38: {  	s10 =	sld [smem:$0x3FBB]  }
0x39: {  	_ = 	snop;
	(pc) =	sbr.ind lr, $3  }
0x3a: {  	_ = 	snop  }
0x3b: {  	_ = 	snop  }
0x3c: {  	p2 =	seq.s32 s10, $0x1;
	s10 =	sld [smem:$0x3FBA]  }
0x3d: {  	_ =	shalt  }
0x3e: {  	_ =	shalt  }
0x3f: {  	_ =	shalt  }
0x40: {  	_ =	shalt  }
0x41: {  	_ =	shalt  }
0x42: {  	_ =	shalt  }
0x43: {  	_ =	shalt  }
0x44: {  	_ =	shalt  }
0x45: {  	_ =	shalt  }
0x46: {  	_ =	shalt  }
0x47: {  	_ =	shalt  }
0x48: {  	_ =	shalt  }
0x49: {  	_ =	shalt  }
0x4a: {  	_ =	shalt  }
0x4b: {  	_ =	shalt  }
0x4c: {  	_ =	shalt  }
0x4d: {  	_ =	shalt  }
0x4e: {  	_ =	shalt  }
0x4f: {  	_ =	shalt  }
0x50: {  	_ =	shalt  }
0x51: {  	_ =	shalt  }
0x52: {  	_ =	shalt  }
0x53: {  	_ =	shalt  }
0x54: {  	_ =	shalt  }
0x55: {  	_ =	shalt  }
0x56: {  	_ =	shalt  }
0x57: {  	_ =	shalt  }
0x58: {  	_ =	shalt  }
0x59: {  	_ =	shalt  }
0x5a: {  	_ =	shalt  }
0x5b: {  	_ =	shalt  }
0x5c: {  	_ =	shalt  }
0x5d: {  	_ =	shalt  }
0x5e: {  	_ =	shalt  }
0x5f: {  	_ =	shalt  }
0x60: {  	_ =	shalt  }
0x61: {  	_ =	shalt  }
0x62: {  	_ =	shalt  }
0x63: {  	_ =	shalt  }
0x64: {  	_ =	shalt  }
0x65: {  	_ =	shalt  }
0x66: {  	_ =	shalt  }
0x67: {  	_ =	shalt  }
0x68: {  	_ =	shalt  }
0x69: {  	_ =	shalt  }
0x6a: {  	_ =	shalt  }
0x6b: {  	_ =	shalt  }
0x6c: {  	_ =	shalt  }
0x6d: {  	_ =	shalt  }
0x6e: {  	_ =	shalt  }
0x6f: {  	_ =	shalt  }
0x70: {  	_ =	shalt  }
0x71: {  	_ =	shalt  }
0x72: {  	_ =	shalt  }
0x73: {  	_ =	shalt  }
0x74: {  	_ =	shalt  }
0x75: {  	_ =	shalt  }
0x76: {  	_ =	shalt  }
0x77: {  	_ =	shalt  }
0x78: {  	_ =	shalt  }
0x79: {  	_ =	shalt  }
0x7a: {  	_ =	shalt  }
0x7b: {  	_ =	shalt  }
0x7c: {  	_ =	shalt  }
0x7d: {  	_ =	shalt  }
0x7e: {  	_ =	shalt  }
0x7f: {  	_ =	shalt  }
0x80: {  	_ =	shalt  }
0x81: {  	_ =	shalt  }
0x82: {  	_ =	shalt  }
0x83: {  	_ =	shalt  }
0x84: {  	_ =	shalt  }
0x85: {  	_ =	shalt  }
0x86: {  	_ =	shalt  }
0x87: {  	_ =	shalt  }
.Lfunc_end0:
.L_simem_size_0:
called_computation.1_lowered:
.L_overlay_start_0:
0x88: {  	s2 =	sld [smem:$0x3FD9]  }
0x89: {  	s3 =	sld [smem:$0x3FFE];
	_ =	sdelay $0x1  }
0x8a: {  	s1 =	srdreg.scid  }
0x8b: {  	s0 =	sand.u32 $0x1, s1  }
0x8c: {  	s17 =	sshll.u32 s0, $0xA;
	s2 =	sadd.s32 s3, s2  }
0x8d: {  	s2 =	sadd.s32 s2, s17  }
0x8e: {  	[smem:$0x3FC6] =	sst s2  }
0x8f: {  	_ = 	snop  }
0x90: {  	s2 =	sld [smem:$0x3FD0];
	(tm) =	ssettm $0x1  }
0x91: {  	s18 =	sld [smem:$0x3FFB];
	_ =	sdelay $0x3  }
0x92: {  	_ =	strace s18  }
0x93: {  	s3 =	sld [smem:$0x3FFC];
	_ =	sdelay $0x3  }
0x94: {  	_ =	strace s3  }
0x95: {  	s3 =	sld [smem:$0x3FFD];
	_ =	sdelay $0x3  }
0x96: {  	_ =	strace s3  }
0x97: {  	_ =	strace $0x8FFFFFFF  }
0x98: {  	s19 =	sld [smem:$0x3FDB];
	_ =	sdelay $0x1  }
0x99: {  	s4 =	simm.s32 $_scs_section_size  }
0x9a: {  	s5 =	simm.s32 $_size__tile_overlayer_lowered;
	s6 =	simm.s32 $_tile_overlayer_lowered  }
0x9b: {  	s22 =	simm.s32 $0x1BFF;
	s21 =	sshll.u32 s6, $0x1;
	s3 =	sadd.s32 s4, s19  }
0x9c: {  	s7 =	simm.s32 $0x0;
	s20 =	sshll.u32 s5, $0x1;
	s5 =	sadd.s32 s21, s3  }
0x9d: {  	[timem:s7], [sflag:s22] =	dma.local [hbm:s5], s20  }
0x9e: {  	_ =	swait.ge [sflag:s22], s20  }
0x9f: {  	s4 =	ssub.s32 $0x0, s20;
	[sflag:s22] =	ssyncset.done $0x0  }
0xa0: {  	[sflag:s22] =	ssyncadd.s32 s4;
	_ =	sdelay $0x1  }
0xa1: {  	s23 =	simm.s32 $0x1B8B  }
0xa2: {  	_ =	swait.ge [sflag:s23], $0x1  }
0xa3: {  	[sflag:s23] =	ssyncset.done $0x0  }
0xa4: {  	s25 =	simm.s32 $0x1B8E;
	s24 =	sld [smem:$0x3FFE];
	[sflag:s23] =	ssyncadd.s32 $0xFFFFFFFF  }
0xa5: {  	s26 =	simm.s32 $execute0_lowered;
	[smem:$0x3FD2] =	sst s25  }
0xa6: {  	s5 =	sshll.u32 s26, $0x1;
	_ =	strace $0x80000046;
	[dreg:$0x1] =	wrdreg $0xFFFFFFFF  }
0xa7: {  	s28 =	simm.s32 $_size_execute0_lowered;
	s3 =	sadd.s32 s3, s5;
	[dreg:$0x0] =	wrdreg $0x0  }
0xa8: {  	s5 =	sshll.u32 s28, $0x1;
	[dreg:$0x2] =	wrdreg s3  }
0xa9: {  	[dreg:$0x3] =	wrdreg s5  }
0xaa: {  	[dreg:$0x4] =	wrdreg $0xC0  }
0xab: {  	_ =	task [dreg:s7], $0x5FFFF  }
0xac: {  	[dreg:$0x1] =	wrdreg $0xFFFFFFFF  }
0xad: {  	[dreg:$0x0] =	wrdreg $0x60  }
0xae: {  	[dreg:$0x2] =	wrdreg s24  }
0xaf: {  	[dreg:$0x3] =	wrdreg s2  }
0xb0: {  	[dreg:$0x4] =	wrdreg $0x9  }
0xb1: {  	_ =	task.clear_ibuf [dreg:s7], $0x5FFFF;
	_ =	strace $0x90000046  }
0xb2: {  	s29 =	simm.s32 $0x9;
	_ =	strace $0x80000048  }
0xb3: {  	_ =	swait.ge [sflag:s29], $0x1  }
0xb4: {  	[sflag:s29] =	ssyncadd.s32 $0xFFFFFFFF  }
0xb5: {  	_ =	strace $0x90000048  }
0xb6: {  	_ =	sfence  }
0xb7: {  	s30 =	sld [smem:$0x0];
	_ =	sdelay $0x2  }
0xb8: {  	s31 =	sshll.u32 s1, $0xD;
	s1 =	sshrl.u32 s1, $0x2  }
0xb9: {  	s3 =	sand.u32 $0x4000, s31;
	s1 =	sadd.s32 s1, s30  }
0xba: {  	s0 =	sor.u32 s3, s0;
	s1 =	sshll.u32 s1, $0x11  }
0xbb: {  	s0 =	sor.u32 s1, s0  }
0xbc: {  	s0 =	sadd.s32 $0x8F2B, s0  }
0xbd: {  	[sflag:s0] =	ssyncadd.remote.s32 $0x1  }
0xbe: {  	_ =	sfence.sel $0xFFFF  }
0xbf: {  	[dreg:$0x0] =	wrdreg $0xFFFFFFFF;
	(pc) =	sbr.abs _section_cstart, $3  }
0xc0: {  	[dreg:$0x1] =	wrdreg $0xFFFFFFFF  }
0xc1: {  	_ =	task.clear_ibuf [dreg:s7], $0x2FFFF;
	_ =	strace $0x9FFFFFFF  }
0xc2: {  	(tm) =	ssettm $0x7FFFFFFF  }
0xc3: {  	_ =	shalt  }
tec
execute0_lowered:
.L_overlay_start_1:
0x0: {  	(tag) =	ssettag $0x1  }
0x1: {  	s0 =	srdreg.scid  }
0x2: {  	s6 =	stileid.u32;
	s2 =	rddreg [dreg:$0x0]  }
0x3: {  	s3 =	simm.s32 $0x0;
	s8 =	simm.s32 $0x80;
	s9 =	simm.s32 $0x6400  }
0x4: {  	s10 =	simm.s32 $0x8400;
	s12 =	simm.s32 $0xA400;
	s14 =	simm.s32 $0xC400  }
0x5: {  	s15 =	simm.s32 $0xE400;
	s16 =	simm.s32 $0x1;
	s17 =	simm.s32 $0x10400  }
0x6: {  	s18 =	simm.s32 $0x2;
	s19 =	simm.s32 $0x12400;
	s4 =	smul.u32 $0xC800, s6  }
0x7: {  	s0 =	sand.u32 $0x1, s0;
	s1 =	sshll.u32 s6, $0x1;
	s6 =	smul.u32 $0x320000, s6  }
0x8: {  	s20 =	simm.s32 $0x3;
	[smem:$0x7FF] =	sst s3;
	s5 =	smul.u32 $0x6400, s0  }
0x9: {  	s1 =	sor.u32 s0, s1;
	s7 =	ssub.s32 $0x2, s0;
	s0 =	smul.u32 $0x190000, s0  }
0xa: {  	_ =	strace $0x80000047;
	s1 =	smul.u32 $0x6400, s1;
	s21 =	sshrl.u32 s7, $0x1  }
0xb: {  	s5 =	sadd.s32 s5, s4;
	s4 =	sadd.s32 $0xF43000, s2;
	s0 =	sadd.s32 s0, s6  }
0xc: {  	s1 =	sshrl.u32 s1, $0x3;
	s5 =	sshll.u32 s5, $0x3;
	s6 =	sor.u32 $0x4000, s0  }
0xd: {  	s24 =	sshrl.u32 s0, $0x3;
	s25 =	sor.u32 $0xE000, s0;
	s28 =	sor.u32 $0xC000, s0  }
0xe: {  	s30 =	sor.u32 $0xA000, s0;
	s22 =	sor.u32 $0xC00, s5;
	[dreg:$0x6] =	wrdreg s24  }
0xf: {  	s0 =	sor.u32 $0x8000, s0;
	s5 =	sor.u32 $0x400, s5;
	[dreg:$0x3] =	wrdreg s22  }
0x10: {  	s1 =	sadd.s32 s1, s2;
	s23 =	sshrl.u32 s6, $0x3;
	[dreg:$0x4] =	wrdreg s5  }
0x11: {  	s2 =	ssub.s32 s7, s21;
	s26 =	sshrl.u32 s25, $0x3;
	[dreg:$0x5] =	wrdreg s23  }
0x12: {  	s29 =	sshrl.u32 s28, $0x3;
	s31 =	sshrl.u32 s30, $0x3;
	[dreg:$0x7] =	wrdreg s26  }
0x13: {  	s0 =	sshrl.u32 s0, $0x3;
	s21 =	simm.s32 $0x14400;
	[dreg:$0x8] =	wrdreg s29  }
0x14: {  	s24 =	simm.s32 $0x6;
	s25 =	simm.s32 $0x7;
	[dreg:$0x9] =	wrdreg s31  }
0x15: {  	s1 =	sadd.s32 $0xC00, s1;
	s2 =	smax.u32 s2, $0x1;
	[dreg:$0xa] =	wrdreg s0  }
0x16: {  	s22 =	simm.s32 $0x4;
	s23 =	simm.s32 $0x5;
	[dreg:$0xb] =	wrdreg s1  }
0x17: {  	s26 =	simm.s32 $0x8;
	s5 =	simm.s32 $0x0;
	[dreg:$0xc] =	wrdreg s2  }
.LBB2_1:
0x18: {  	s0 =	rddreg [dreg:$0xb];
	s2 =	simm.s32 $0x11  }
0x19: {  	[tilespmem:s3], [sflag:$0x11] =	stream.linear.gather [hbm4b:s0+s3], $0x6400, $0x38;
	[tilespmem:$0x16400] =	vst v63  }
0x1a: {  	_ =	swait.ge [sflag:s2], $0x6400  }
0x1b: {  	[sflag:s2] =	ssyncset.done $0x0  }
0x1c: {  	[sflag:s2] =	ssyncadd.s32 $0xFFFF9C00  }
0x1d: {  	[tilespmem:s9], [sflag:$0x1] =	stream.indirect.gather [hbm4b:s4+s8], $0x40, s3, s8, $0xb8;
	[tilespmem:$0x16400] =	vst v63  }
0x1e: {  	p0 =	por $0x1, $0x1  }
0x1f: {  	[tilespmem:s10], [sflag:$0x2] =	stream.indirect.gather [hbm4b:s4+s8], $0x40, s8, s8, $0xb8;
	[tilespmem:$0x16400] =	vst v63  }
0x20: {  	s6 =	simm.s32 $0x100;
	p0 =	por p0, p0  }
0x21: {  	[tilespmem:s12], [sflag:$0x3] =	stream.indirect.gather [hbm4b:s4+s8], $0x40, s6, s8, $0xb8;
	[tilespmem:$0x16400] =	vst v63  }
0x22: {  	s7 =	simm.s32 $0x180;
	s1 =	simm.s32 @!p0 $0xD  }
0x23: {  	[tilespmem:s14], [sflag:$0x4] =	stream.indirect.gather [hbm4b:s4+s8], $0x40, s7, s8, $0xb8;
	[tilespmem:$0x16400] =	vst v63  }
0x24: {  	_ =	swait.ge @!p0 [sflag:s1], $0x2000  }
0x25: {  	[sflag:s1] =	ssyncset.done @!p0 $0x0  }
0x26: {  	s11 =	simm.s32 $0x200;
	[sflag:s1] =	ssyncadd.s32 @!p0 $0xFFFFE000  }
0x27: {  	[tilespmem:s15], [sflag:$0x5] =	stream.indirect.gather [hbm4b:s4+s8], $0x40, s11, s8, $0xb8;
	[tilespmem:$0x16400] =	vst v63  }
0x28: {  	_ =	swait.ge [sflag:s16], $0x2000  }
0x29: {  	[sflag:s16] =	ssyncset.done $0x0  }
0x2a: {  	s13 =	rddreg [dreg:$0x6];
	[sflag:s16] =	ssyncadd.s32 $0xFFFFE000  }
0x2b: {  	s0 =	rddreg [dreg:$0x1]  }
0x2c: {  	s2 =	simm.s32 @!p0 $0xE;
	s1 =	sadd.s32 s0, s13  }
0x2d: {  	[hbm4b:s1+s3] =	stream.linear.scatter [tilespmem:s9], [sflag:$0x9], $0x2000, $0x38;
	[tilespmem:$0x16400] =	vst v63  }
0x2e: {  	_ =	swait.ge @!p0 [sflag:s2], $0x2000  }
0x2f: {  	[sflag:s2] =	ssyncset.done @!p0 $0x0  }
0x30: {  	s29 =	simm.s32 $0x280;
	[sflag:s2] =	ssyncadd.s32 @!p0 $0xFFFFE000  }
0x31: {  	[tilespmem:s17], [sflag:$0x6] =	stream.indirect.gather [hbm4b:s4+s8], $0x40, s29, s8, $0xb8;
	[tilespmem:$0x16400] =	vst v63  }
0x32: {  	_ =	swait.ge [sflag:s18], $0x2000  }
0x33: {  	s31 =	rddreg [dreg:$0x4];
	[sflag:s18] =	ssyncset.done $0x0  }
0x34: {  	s2 =	simm.s32 @!p0 $0xF;
	[sflag:s18] =	ssyncadd.s32 $0xFFFFE000;
	s1 =	sadd.s32 s0, s31  }
0x35: {  	[hbm4b:s1+s3] =	stream.linear.scatter [tilespmem:s10], [sflag:$0xA], $0x2000, $0x38;
	[tilespmem:$0x16400] =	vst v63  }
0x36: {  	_ =	swait.ge @!p0 [sflag:s2], $0x2000  }
0x37: {  	[sflag:s2] =	ssyncset.done @!p0 $0x0  }
0x38: {  	[sflag:s2] =	ssyncadd.s32 @!p0 $0xFFFFE000;
	s2 =	simm.s32 $0x300  }
0x39: {  	[tilespmem:s19], [sflag:$0x7] =	stream.indirect.gather [hbm4b:s4+s8], $0x40, s2, s8, $0xb8;
	[tilespmem:$0x16400] =	vst v63  }
0x3a: {  	_ =	swait.ge [sflag:s20], $0x2000  }
0x3b: {  	s6 =	rddreg [dreg:$0x5];
	[sflag:s20] =	ssyncset.done $0x0  }
0x3c: {  	s2 =	simm.s32 @!p0 $0x10;
	[sflag:s20] =	ssyncadd.s32 $0xFFFFE000;
	s1 =	sadd.s32 s0, s6  }
0x3d: {  	[hbm4b:s1+s3] =	stream.linear.scatter [tilespmem:s12], [sflag:$0xB], $0x2000, $0x38;
	[tilespmem:$0x16400] =	vst v63  }
0x3e: {  	_ =	swait.ge @!p0 [sflag:s2], $0x2000  }
0x3f: {  	[sflag:s2] =	ssyncset.done @!p0 $0x0  }
0x40: {  	s7 =	simm.s32 $0x380;
	[sflag:s2] =	ssyncadd.s32 @!p0 $0xFFFFE000  }
0x41: {  	[tilespmem:s21], [sflag:$0x8] =	stream.indirect.gather [hbm4b:s4+s8], $0x40, s7, s8, $0xb8;
	[tilespmem:$0x16400] =	vst v63  }
0x42: {  	_ =	swait.ge [sflag:s22], $0x2000  }
0x43: {  	s11 =	rddreg [dreg:$0x3];
	[sflag:s22] =	ssyncset.done $0x0  }
0x44: {  	p0 =	por $0x0, $0x0;
	[sflag:s22] =	ssyncadd.s32 $0xFFFFE000;
	s1 =	sadd.s32 s0, s11  }
0x45: {  	[hbm4b:s1+s3] =	stream.linear.scatter [tilespmem:s14], [sflag:$0xC], $0x2000, $0x38;
	[tilespmem:$0x16400] =	vst v63  }
0x46: {  	s1 =	simm.s32 @!p0 $0x9  }
0x47: {  	_ =	swait.ge @!p0 [sflag:s1], $0x2000  }
0x48: {  	s2 =	simm.s32 @!p0 $0x400;
	[sflag:s1] =	ssyncset.done @!p0 $0x0  }
0x49: {  	s6 =	simm.s32 @!p0 $0x80;
	s7 =	simm.s32 @!p0 $0x6400;
	[sflag:s1] =	ssyncadd.s32 @!p0 $0xFFFFE000  }
0x4a: {  	[tilespmem:s7], [sflag:$0x1] =	stream.indirect.gather @!p0 [hbm4b:s4+s6], $0x40, s2, s6, $0xb8;
	[tilespmem:$0x16400] =	vst v63  }
0x4b: {  	_ =	swait.ge [sflag:s23], $0x2000  }
0x4c: {  	s13 =	rddreg [dreg:$0xa];
	[sflag:s23] =	ssyncset.done $0x0  }
0x4d: {  	s2 =	simm.s32 @!p0 $0xA;
	[sflag:s23] =	ssyncadd.s32 $0xFFFFE000;
	s1 =	sadd.s32 s0, s13  }
0x4e: {  	[hbm4b:s1+s3] =	stream.linear.scatter [tilespmem:s15], [sflag:$0xD], $0x2000, $0x38;
	[tilespmem:$0x16400] =	vst v63  }
0x4f: {  	_ =	swait.ge @!p0 [sflag:s2], $0x2000  }
0x50: {  	[sflag:s2] =	ssyncset.done @!p0 $0x0  }
0x51: {  	s7 =	simm.s32 @!p0 $0x8400;
	s1 =	simm.s32 @!p0 $0x480;
	[sflag:s2] =	ssyncadd.s32 @!p0 $0xFFFFE000  }
0x52: {  	[tilespmem:s7], [sflag:$0x2] =	stream.indirect.gather @!p0 [hbm4b:s4+s6], $0x40, s1, s6, $0xb8;
	[tilespmem:$0x16400] =	vst v63  }
0x53: {  	_ =	swait.ge [sflag:s24], $0x2000  }
0x54: {  	s29 =	rddreg [dreg:$0x9];
	[sflag:s24] =	ssyncset.done $0x0  }
0x55: {  	s2 =	simm.s32 @!p0 $0xB;
	[sflag:s24] =	ssyncadd.s32 $0xFFFFE000;
	s1 =	sadd.s32 s0, s29  }
0x56: {  	[hbm4b:s1+s3] =	stream.linear.scatter [tilespmem:s17], [sflag:$0xE], $0x2000, $0x38;
	[tilespmem:$0x16400] =	vst v63  }
0x57: {  	_ =	swait.ge @!p0 [sflag:s2], $0x2000  }
0x58: {  	[sflag:s2] =	ssyncset.done @!p0 $0x0  }
0x59: {  	s7 =	simm.s32 @!p0 $0xA400;
	s1 =	simm.s32 @!p0 $0x500;
	[sflag:s2] =	ssyncadd.s32 @!p0 $0xFFFFE000  }
0x5a: {  	[tilespmem:s7], [sflag:$0x3] =	stream.indirect.gather @!p0 [hbm4b:s4+s6], $0x40, s1, s6, $0xb8;
	[tilespmem:$0x16400] =	vst v63  }
0x5b: {  	_ =	swait.ge [sflag:s25], $0x2000  }
0x5c: {  	s31 =	rddreg [dreg:$0x8];
	[sflag:s25] =	ssyncset.done $0x0  }
0x5d: {  	s2 =	simm.s32 @!p0 $0xC;
	[sflag:s25] =	ssyncadd.s32 $0xFFFFE000;
	s1 =	sadd.s32 s0, s31  }
0x5e: {  	[hbm4b:s1+s3] =	stream.linear.scatter [tilespmem:s19], [sflag:$0xF], $0x2000, $0x38;
	[tilespmem:$0x16400] =	vst v63  }
0x5f: {  	_ =	swait.ge @!p0 [sflag:s2], $0x2000  }
0x60: {  	p6 =	por $0x0, $0x0;
	s28 =	simm.s32 @!p0 $0xC400;
	[sflag:s2] =	ssyncset.done @!p0 $0x0  }
0x61: {  	s7 =	simm.s32 $0x1000;
	s1 =	simm.s32 @!p0 $0x580;
	[sflag:s2] =	ssyncadd.s32 @!p0 $0xFFFFE000  }
0x62: {  	[tilespmem:s28], [sflag:$0x4] =	stream.indirect.gather @!p0 [hbm4b:s4+s6], $0x40, s1, s6, $0xb8;
	[tilespmem:$0x16400] =	vst v63  }
0x63: {  	s2 =	smov.u32 s0;
	s28 =	simm.s32 $0x2000;
	_ =	swait.ge [sflag:s26], $0x2000  }
0x64: {  	p0 =	por p6, p6;
	s6 =	sadd.s32 $0x2000, s0;
	[sflag:s26] =	ssyncset.done $0x0  }
0x65: {  	s1 =	simm.s32 @!p0 $0xD;
	s30 =	rddreg [dreg:$0x7];
	[sflag:s26] =	ssyncadd.s32 $0xFFFFE000  }
.LBB2_2:
0x66: {  	s31 =	sadd.s32 s2, s30  }
0x67: {  	[hbm4b:s31+s3] =	stream.linear.scatter [tilespmem:s21], [sflag:$0x10], $0x2000, $0x38;
	[tilespmem:$0x16400] =	vst v63  }
0x68: {  	_ =	swait.ge @!p0 [sflag:s1], $0x2000  }
0x69: {  	s31 =	sshra.s32 s7, $0x2;
	[sflag:s1] =	ssyncset.done @!p0 $0x0  }
0x6a: {  	s29 =	sadd.s32 $0x200, s31;
	[sflag:s1] =	ssyncadd.s32 @!p0 $0xFFFFE000  }
0x6b: {  	[tilespmem:s15], [sflag:$0x5] =	stream.indirect.gather [hbm4b:s4+s8], $0x40, s29, s8, $0xb8;
	[tilespmem:$0x16400] =	vst v63  }
0x6c: {  	_ =	swait.ge [sflag:s16], $0x2000  }
0x6d: {  	s0 =	rddreg [dreg:$0x6];
	[sflag:s16] =	ssyncset.done $0x0  }
0x6e: {  	[sflag:s16] =	ssyncadd.s32 $0xFFFFE000;
	s1 =	sadd.s32 s6, s0;
	s0 =	simm.s32 @!p0 $0xE  }
0x6f: {  	[hbm4b:s1+s3] =	stream.linear.scatter [tilespmem:s9], [sflag:$0x9], $0x2000, $0x38;
	[tilespmem:$0x16400] =	vst v63  }
0x70: {  	_ =	swait.ge @!p0 [sflag:s0], $0x2000  }
0x71: {  	[sflag:s0] =	ssyncset.done @!p0 $0x0  }
0x72: {  	s1 =	sadd.s32 $0x280, s31;
	[sflag:s0] =	ssyncadd.s32 @!p0 $0xFFFFE000  }
0x73: {  	[tilespmem:s17], [sflag:$0x6] =	stream.indirect.gather [hbm4b:s4+s8], $0x40, s1, s8, $0xb8;
	[tilespmem:$0x16400] =	vst v63  }
0x74: {  	_ =	swait.ge [sflag:s18], $0x2000  }
0x75: {  	s11 =	rddreg [dreg:$0x4];
	[sflag:s18] =	ssyncset.done $0x0  }
0x76: {  	s1 =	simm.s32 @!p0 $0xF;
	[sflag:s18] =	ssyncadd.s32 $0xFFFFE000;
	s0 =	sadd.s32 s6, s11  }
0x77: {  	[hbm4b:s0+s3] =	stream.linear.scatter [tilespmem:s10], [sflag:$0xA], $0x2000, $0x38;
	[tilespmem:$0x16400] =	vst v63  }
0x78: {  	_ =	swait.ge @!p0 [sflag:s1], $0x2000  }
0x79: {  	[sflag:s1] =	ssyncset.done @!p0 $0x0  }
0x7a: {  	s13 =	sadd.s32 $0x300, s31;
	[sflag:s1] =	ssyncadd.s32 @!p0 $0xFFFFE000  }
0x7b: {  	[tilespmem:s19], [sflag:$0x7] =	stream.indirect.gather [hbm4b:s4+s8], $0x40, s13, s8, $0xb8;
	[tilespmem:$0x16400] =	vst v63  }
0x7c: {  	_ =	swait.ge [sflag:s20], $0x2000  }
0x7d: {  	s29 =	rddreg [dreg:$0x5];
	[sflag:s20] =	ssyncset.done $0x0  }
0x7e: {  	s1 =	simm.s32 @!p0 $0x10;
	[sflag:s20] =	ssyncadd.s32 $0xFFFFE000;
	s0 =	sadd.s32 s6, s29  }
0x7f: {  	[hbm4b:s0+s3] =	stream.linear.scatter [tilespmem:s12], [sflag:$0xB], $0x2000, $0x38;
	[tilespmem:$0x16400] =	vst v63  }
0x80: {  	_ =	swait.ge @!p0 [sflag:s1], $0x2000  }
0x81: {  	[sflag:s1] =	ssyncset.done @!p0 $0x0  }
0x82: {  	s31 =	sadd.s32 $0x380, s31;
	[sflag:s1] =	ssyncadd.s32 @!p0 $0xFFFFE000  }
0x83: {  	[tilespmem:s21], [sflag:$0x8] =	stream.indirect.gather [hbm4b:s4+s8], $0x40, s31, s8, $0xb8;
	[tilespmem:$0x16400] =	vst v63  }
0x84: {  	p2 =	seq.s32 s28, $0x0;
	_ =	swait.ge [sflag:s22], $0x2000  }
0x85: {  	p0 =	por p2, p2;
	s1 =	rddreg [dreg:$0x3];
	[sflag:s22] =	ssyncset.done $0x0  }
0x86: {  	p2 =	seq.s32 s7, $0x18000;
	[sflag:s22] =	ssyncadd.s32 $0xFFFFE000;
	s0 =	sadd.s32 s6, s1  }
0x87: {  	[hbm4b:s0+s3] =	stream.linear.scatter [tilespmem:s14], [sflag:$0xC], $0x2000, $0x38;
	[tilespmem:$0x16400] =	vst v63  }
0x88: {  	s0 =	simm.s32 @!p2 $0x9  }
0x89: {  	s30 =	smov.u32 s28;
	s29 =	simm.s32 @!p2 $0x6400;
	_ =	swait.ge @!p2 [sflag:s0], $0x2000  }
0x8a: {  	s1 =	sshra.s32 @!p2 s7, $0x2;
	s7 =	smov.u32 s30;
	[sflag:s0] =	ssyncset.done @!p2 $0x0  }
0x8b: {  	s30 =	simm.s32 @!p2 $0x80;
	s11 =	sadd.s32 @!p2 $0x400, s1;
	[sflag:s0] =	ssyncadd.s32 @!p2 $0xFFFFE000  }
0x8c: {  	[tilespmem:s29], [sflag:$0x1] =	stream.indirect.gather @!p2 [hbm4b:s4+s30], $0x40, s11, s30, $0xb8;
	[tilespmem:$0x16400] =	vst v63  }
0x8d: {  	s13 =	sadd.s32 @!p2 $0x480, s1;
	s31 =	sadd.s32 @!p2 $0x580, s1;
	_ =	swait.ge [sflag:s23], $0x2000  }
0x8e: {  	s0 =	sadd.s32 @!p2 $0x500, s1;
	s11 =	rddreg [dreg:$0xa];
	[sflag:s23] =	ssyncset.done $0x0  }
0x8f: {  	[sflag:s23] =	ssyncadd.s32 $0xFFFFE000;
	s1 =	sadd.s32 s6, s11;
	s11 =	simm.s32 @!p2 $0xA  }
0x90: {  	[hbm4b:s1+s3] =	stream.linear.scatter [tilespmem:s15], [sflag:$0xD], $0x2000, $0x38;
	[tilespmem:$0x16400] =	vst v63  }
0x91: {  	_ =	swait.ge @!p2 [sflag:s11], $0x2000  }
0x92: {  	[sflag:s11] =	ssyncset.done @!p2 $0x0  }
0x93: {  	s1 =	simm.s32 @!p2 $0x8400;
	[sflag:s11] =	ssyncadd.s32 @!p2 $0xFFFFE000  }
0x94: {  	[tilespmem:s1], [sflag:$0x2] =	stream.indirect.gather @!p2 [hbm4b:s4+s30], $0x40, s13, s30, $0xb8;
	[tilespmem:$0x16400] =	vst v63  }
0x95: {  	_ =	swait.ge [sflag:s24], $0x2000  }
0x96: {  	s13 =	rddreg [dreg:$0x9];
	[sflag:s24] =	ssyncset.done $0x0  }
0x97: {  	s11 =	simm.s32 @!p2 $0xB;
	[sflag:s24] =	ssyncadd.s32 $0xFFFFE000;
	s1 =	sadd.s32 s6, s13  }
0x98: {  	[hbm4b:s1+s3] =	stream.linear.scatter [tilespmem:s17], [sflag:$0xE], $0x2000, $0x38;
	[tilespmem:$0x16400] =	vst v63  }
0x99: {  	_ =	swait.ge @!p2 [sflag:s11], $0x2000  }
0x9a: {  	[sflag:s11] =	ssyncset.done @!p2 $0x0  }
0x9b: {  	s1 =	simm.s32 @!p2 $0xA400;
	[sflag:s11] =	ssyncadd.s32 @!p2 $0xFFFFE000  }
0x9c: {  	[tilespmem:s1], [sflag:$0x3] =	stream.indirect.gather @!p2 [hbm4b:s4+s30], $0x40, s0, s30, $0xb8;
	[tilespmem:$0x16400] =	vst v63  }
0x9d: {  	_ =	swait.ge [sflag:s25], $0x2000  }
0x9e: {  	s29 =	rddreg [dreg:$0x8];
	[sflag:s25] =	ssyncset.done $0x0  }
0x9f: {  	s1 =	simm.s32 @!p2 $0xC;
	[sflag:s25] =	ssyncadd.s32 $0xFFFFE000;
	s0 =	sadd.s32 s6, s29  }
0xa0: {  	[hbm4b:s0+s3] =	stream.linear.scatter [tilespmem:s19], [sflag:$0xF], $0x2000, $0x38;
	[tilespmem:$0x16400] =	vst v63  }
0xa1: {  	s28 =	sadd.s32 $0x1000, s28;
	_ =	swait.ge @!p2 [sflag:s1], $0x2000  }
0xa2: {  	p1 =	sne.s32 s28, $0x19000;
	[sflag:s1] =	ssyncset.done @!p2 $0x0  }
.Ltmp0:
0xa3: {  	s0 =	simm.s32 @!p2 $0xC400;
	[sflag:s1] =	ssyncadd.s32 @!p2 $0xFFFFE000;
	(pc) =	sbr.rel @p1 .LBB2_2-.Ltmp0, $4  }
0xa4: {  	[tilespmem:s0], [sflag:$0x4] =	stream.indirect.gather @!p2 [hbm4b:s4+s30], $0x40, s31, s30, $0xb8;
	[tilespmem:$0x16400] =	vst v63  }
0xa5: {  	_ =	swait.ge [sflag:s26], $0x2000  }
0xa6: {  	s2 =	smov.u32 s6;
	s6 =	sadd.s32 $0x2000, s6;
	[sflag:s26] =	ssyncset.done $0x0  }
0xa7: {  	s1 =	simm.s32 @!p0 $0xD;
	s30 =	rddreg [dreg:$0x7];
	[sflag:s26] =	ssyncadd.s32 $0xFFFFE000  }
0xa8: {  	s0 =	sadd.s32 s2, s30  }
0xa9: {  	[hbm4b:s0+s3] =	stream.linear.scatter [tilespmem:s21], [sflag:$0x10], $0x2000, $0x38;
	[tilespmem:$0x16400] =	vst v63  }
0xaa: {  	_ =	swait.ge @!p0 [sflag:s1], $0x2000  }
0xab: {  	s28 =	sshra.s32 s7, $0x2;
	[sflag:s1] =	ssyncset.done @!p0 $0x0  }
0xac: {  	s29 =	sadd.s32 $0x200, s28;
	[sflag:s1] =	ssyncadd.s32 @!p0 $0xFFFFE000  }
0xad: {  	[tilespmem:s15], [sflag:$0x5] =	stream.indirect.gather [hbm4b:s4+s8], $0x40, s29, s8, $0xb8;
	[tilespmem:$0x16400] =	vst v63  }
0xae: {  	_ =	swait.ge [sflag:s16], $0x2000  }
0xaf: {  	s30 =	rddreg [dreg:$0x6];
	[sflag:s16] =	ssyncset.done $0x0  }
0xb0: {  	s2 =	simm.s32 @!p0 $0xE;
	[sflag:s16] =	ssyncadd.s32 $0xFFFFE000;
	s1 =	sadd.s32 s6, s30  }
0xb1: {  	[hbm4b:s1+s3] =	stream.linear.scatter [tilespmem:s9], [sflag:$0x9], $0x2000, $0x38;
	[tilespmem:$0x16400] =	vst v63  }
0xb2: {  	_ =	swait.ge @!p0 [sflag:s2], $0x2000  }
0xb3: {  	[sflag:s2] =	ssyncset.done @!p0 $0x0  }
0xb4: {  	s31 =	sadd.s32 $0x280, s28;
	[sflag:s2] =	ssyncadd.s32 @!p0 $0xFFFFE000  }
0xb5: {  	[tilespmem:s17], [sflag:$0x6] =	stream.indirect.gather [hbm4b:s4+s8], $0x40, s31, s8, $0xb8;
	[tilespmem:$0x16400] =	vst v63  }
0xb6: {  	_ =	swait.ge [sflag:s18], $0x2000  }
0xb7: {  	s2 =	rddreg [dreg:$0x4];
	[sflag:s18] =	ssyncset.done $0x0  }
0xb8: {  	[sflag:s18] =	ssyncadd.s32 $0xFFFFE000;
	s1 =	sadd.s32 s6, s2;
	s2 =	simm.s32 @!p0 $0xF  }
0xb9: {  	[hbm4b:s1+s3] =	stream.linear.scatter [tilespmem:s10], [sflag:$0xA], $0x2000, $0x38;
	[tilespmem:$0x16400] =	vst v63  }
0xba: {  	_ =	swait.ge @!p0 [sflag:s2], $0x2000  }
0xbb: {  	[sflag:s2] =	ssyncset.done @!p0 $0x0  }
0xbc: {  	s11 =	sadd.s32 $0x300, s28;
	[sflag:s2] =	ssyncadd.s32 @!p0 $0xFFFFE000  }
0xbd: {  	[tilespmem:s19], [sflag:$0x7] =	stream.indirect.gather [hbm4b:s4+s8], $0x40, s11, s8, $0xb8;
	[tilespmem:$0x16400] =	vst v63  }
0xbe: {  	_ =	swait.ge [sflag:s20], $0x2000  }
0xbf: {  	s13 =	rddreg [dreg:$0x5];
	[sflag:s20] =	ssyncset.done $0x0  }
0xc0: {  	s2 =	simm.s32 @!p0 $0x10;
	[sflag:s20] =	ssyncadd.s32 $0xFFFFE000;
	s1 =	sadd.s32 s6, s13  }
0xc1: {  	[hbm4b:s1+s3] =	stream.linear.scatter [tilespmem:s12], [sflag:$0xB], $0x2000, $0x38;
	[tilespmem:$0x16400] =	vst v63  }
0xc2: {  	_ =	swait.ge @!p0 [sflag:s2], $0x2000  }
0xc3: {  	[sflag:s2] =	ssyncset.done @!p0 $0x0  }
0xc4: {  	s0 =	sadd.s32 $0x380, s28;
	[sflag:s2] =	ssyncadd.s32 @!p0 $0xFFFFE000  }
0xc5: {  	[tilespmem:s21], [sflag:$0x8] =	stream.indirect.gather [hbm4b:s4+s8], $0x40, s0, s8, $0xb8;
	[tilespmem:$0x16400] =	vst v63  }
0xc6: {  	_ =	swait.ge [sflag:s22], $0x2000  }
0xc7: {  	s28 =	rddreg [dreg:$0x3];
	[sflag:s22] =	ssyncset.done $0x0  }
0xc8: {  	p0 =	seq.s32 s7, $0x18000;
	[sflag:s22] =	ssyncadd.s32 $0xFFFFE000;
	s0 =	sadd.s32 s6, s28  }
0xc9: {  	[hbm4b:s0+s3] =	stream.linear.scatter [tilespmem:s14], [sflag:$0xC], $0x2000, $0x38;
	[tilespmem:$0x16400] =	vst v63  }
0xca: {  	s0 =	simm.s32 @!p0 $0x9  }
0xcb: {  	_ =	swait.ge @!p0 [sflag:s0], $0x2000  }
0xcc: {  	s1 =	sshra.s32 @!p0 s7, $0x2;
	s7 =	simm.s32 @!p0 $0x80;
	[sflag:s0] =	ssyncset.done @!p0 $0x0  }
0xcd: {  	s2 =	sadd.s32 @!p0 $0x400, s1;
	[sflag:s0] =	ssyncadd.s32 @!p0 $0xFFFFE000;
	s0 =	simm.s32 @!p0 $0x6400  }
0xce: {  	[tilespmem:s0], [sflag:$0x1] =	stream.indirect.gather @!p0 [hbm4b:s4+s7], $0x40, s2, s7, $0xb8;
	[tilespmem:$0x16400] =	vst v63  }
0xcf: {  	_ =	swait.ge [sflag:s23], $0x2000  }
0xd0: {  	s29 =	rddreg [dreg:$0xa];
	[sflag:s23] =	ssyncset.done $0x0  }
0xd1: {  	s2 =	simm.s32 @!p0 $0xA;
	[sflag:s23] =	ssyncadd.s32 $0xFFFFE000;
	s0 =	sadd.s32 s6, s29  }
0xd2: {  	[hbm4b:s0+s3] =	stream.linear.scatter [tilespmem:s15], [sflag:$0xD], $0x2000, $0x38;
	[tilespmem:$0x16400] =	vst v63  }
0xd3: {  	_ =	swait.ge @!p0 [sflag:s2], $0x2000  }
0xd4: {  	[sflag:s2] =	ssyncset.done @!p0 $0x0  }
0xd5: {  	s0 =	sadd.s32 @!p0 $0x480, s1;
	[sflag:s2] =	ssyncadd.s32 @!p0 $0xFFFFE000;
	s2 =	simm.s32 @!p0 $0x8400  }
0xd6: {  	[tilespmem:s2], [sflag:$0x2] =	stream.indirect.gather @!p0 [hbm4b:s4+s7], $0x40, s0, s7, $0xb8;
	[tilespmem:$0x16400] =	vst v63  }
0xd7: {  	_ =	swait.ge [sflag:s24], $0x2000  }
0xd8: {  	s30 =	rddreg [dreg:$0x9];
	[sflag:s24] =	ssyncset.done $0x0  }
0xd9: {  	s2 =	simm.s32 @!p0 $0xB;
	[sflag:s24] =	ssyncadd.s32 $0xFFFFE000;
	s0 =	sadd.s32 s6, s30  }
0xda: {  	[hbm4b:s0+s3] =	stream.linear.scatter [tilespmem:s17], [sflag:$0xE], $0x2000, $0x38;
	[tilespmem:$0x16400] =	vst v63  }
0xdb: {  	_ =	swait.ge @!p0 [sflag:s2], $0x2000  }
0xdc: {  	[sflag:s2] =	ssyncset.done @!p0 $0x0  }
0xdd: {  	s0 =	sadd.s32 @!p0 $0x500, s1;
	[sflag:s2] =	ssyncadd.s32 @!p0 $0xFFFFE000;
	s2 =	simm.s32 @!p0 $0xA400  }
0xde: {  	[tilespmem:s2], [sflag:$0x3] =	stream.indirect.gather @!p0 [hbm4b:s4+s7], $0x40, s0, s7, $0xb8;
	[tilespmem:$0x16400] =	vst v63  }
0xdf: {  	_ =	swait.ge [sflag:s25], $0x2000  }
0xe0: {  	s31 =	rddreg [dreg:$0x8];
	[sflag:s25] =	ssyncset.done $0x0  }
0xe1: {  	[sflag:s25] =	ssyncadd.s32 $0xFFFFE000;
	s0 =	sadd.s32 s6, s31  }
0xe2: {  	[hbm4b:s0+s3] =	stream.linear.scatter [tilespmem:s19], [sflag:$0xF], $0x2000, $0x38;
	[tilespmem:$0x16400] =	vst v63  }
0xe3: {  	s0 =	simm.s32 @!p0 $0xC  }
0xe4: {  	_ =	swait.ge @!p0 [sflag:s0], $0x2000  }
0xe5: {  	[sflag:s0] =	ssyncset.done @!p0 $0x0  }
0xe6: {  	s1 =	sadd.s32 @!p0 $0x580, s1;
	[sflag:s0] =	ssyncadd.s32 @!p0 $0xFFFFE000;
	s0 =	simm.s32 @!p0 $0xC400  }
0xe7: {  	[tilespmem:s0], [sflag:$0x4] =	stream.indirect.gather @!p0 [hbm4b:s4+s7], $0x40, s1, s7, $0xb8;
	[tilespmem:$0x16400] =	vst v63  }
0xe8: {  	_ =	swait.ge [sflag:s26], $0x2000  }
0xe9: {  	s1 =	rddreg [dreg:$0x7];
	[sflag:s26] =	ssyncset.done $0x0  }
0xea: {  	s2 =	simm.s32 $0x9;
	s0 =	sadd.s32 s6, s1;
	[sflag:s26] =	ssyncadd.s32 $0xFFFFE000  }
0xeb: {  	[hbm4b:s0+s3] =	stream.linear.scatter [tilespmem:s21], [sflag:$0x10], $0x2000, $0x38;
	[tilespmem:$0x16400] =	vst v63  }
0xec: {  	_ =	swait.ge [sflag:s2], $0x2000  }
0xed: {  	[sflag:s2] =	ssyncset.done $0x0  }
0xee: {  	s6 =	simm.s32 $0xA;
	[sflag:s2] =	ssyncadd.s32 $0xFFFFE000  }
0xef: {  	_ =	swait.ge [sflag:s6], $0x2000  }
0xf0: {  	[sflag:s6] =	ssyncset.done $0x0  }
0xf1: {  	s7 =	simm.s32 $0xB;
	[sflag:s6] =	ssyncadd.s32 $0xFFFFE000  }
0xf2: {  	_ =	swait.ge [sflag:s7], $0x2000  }
0xf3: {  	[sflag:s7] =	ssyncset.done $0x0  }
0xf4: {  	s11 =	simm.s32 $0xC;
	[sflag:s7] =	ssyncadd.s32 $0xFFFFE000  }
0xf5: {  	_ =	swait.ge [sflag:s11], $0x2000  }
0xf6: {  	[sflag:s11] =	ssyncset.done $0x0  }
0xf7: {  	s13 =	simm.s32 $0xD;
	[sflag:s11] =	ssyncadd.s32 $0xFFFFE000  }
0xf8: {  	_ =	swait.ge [sflag:s13], $0x2000  }
0xf9: {  	[sflag:s13] =	ssyncset.done $0x0  }
0xfa: {  	s28 =	simm.s32 $0xE;
	[sflag:s13] =	ssyncadd.s32 $0xFFFFE000  }
0xfb: {  	_ =	swait.ge [sflag:s28], $0x2000  }
0xfc: {  	[sflag:s28] =	ssyncset.done $0x0  }
0xfd: {  	s29 =	simm.s32 $0xF;
	[sflag:s28] =	ssyncadd.s32 $0xFFFFE000  }
0xfe: {  	_ =	swait.ge [sflag:s29], $0x2000  }
0xff: {  	[sflag:s29] =	ssyncset.done $0x0  }
0x100: {  	s30 =	simm.s32 $0x10;
	[sflag:s29] =	ssyncadd.s32 $0xFFFFE000  }
0x101: {  	_ =	swait.ge [sflag:s30], $0x2000  }
0x102: {  	s5 =	sadd.s32 $0x1, s5;
	s31 =	rddreg [dreg:$0xc]  }
0x103: {  	p0 =	sne.s32 s5, s31  }
.Ltmp1:
0x104: {  	_ = 	snop;
	(pc) =	sbr.rel @p0 .LBB2_1-.Ltmp1, $3  }
0x105: {  	_ =	sdelay $0x1  }
0x106: {  	[sflag:s30] =	ssyncset.done $0x0  }
0x107: {  	[sflag:s30] =	ssyncadd.s32 $0xFFFFE000  }
0x108: {  	_ =	sfence.sel $0x180000  }
0x109: {  	[bflag:$0x0] =	sbarrier.arrive $0xFFFF  }
0x10a: {  	_ =	strace $0x90000047  }
0x10b: {  	s0 =	stileid.u32;
	[bflag:$0x2] =	sbarrier.arrive $0xFFFF  }
0x10c: {  	p0 =	sne.s32 s0, $0x0;
	s0 =	rddreg [dreg:$0x2]  }
0x10d: {  	s0 =	sadd.s32 @!p0 $0x100000, s0  }
0x10e: {  	[sflag:s0] =	ssyncadd.tile.s32 @!p0 $0x1;
	_ =	shalt  }
.Lfunc_end2:
_tile_overlayer_lowered:
.L_overlay_start_2:
0x10f: {  	(tag) =	ssettag $0x2  }
0x110: {  	s0 =	rddreg [dreg:$0x0];
	s2 =	stileid.u32  }
0x111: {  	s1 =	rddreg [dreg:$0x1];
	p0 =	sne.s32 s2, $0x0  }
0x112: {  	s3 =	rddreg [dreg:$0x2];
	[bflag:$0x3] =	sbarrier.arrive $0xFFFF;
	s2 =	simm.s32 @!p0 $0x1C11  }
0x113: {  	[timem:s3], [sflag:s2] =	dma.local @!p0 [hbm:s0], s1  }
0x114: {  	s0 =	simm.s32 @!p0 $0x11  }
0x115: {  	_ =	swait.ge @!p0 [sflag:s0], s1  }
0x116: {  	s1 =	ssub.s32 @!p0 $0x0, s1;
	[sflag:s0] =	ssyncset.done @!p0 $0x0  }
0x117: {  	[sflag:s0] =	ssyncadd.s32 @!p0 s1  }
0x118: {  	[bflag:$0x3] =	sbarrier.arrive $0xFFFF  }
0x119: {  	_ =	shalt  }

// kernel: sparse-core-data-format-call.cloned.1.call-start
scs
called_computation_lowered:
.L_overlay_start_0:
0x0: {  	s2 =	sld [smem:$0x3FD9]  }
0x1: {  	s3 =	sld [smem:$0x3FFE];
	_ =	sdelay $0x1  }
0x2: {  	s1 =	srdreg.scid  }
0x3: {  	s0 =	sand.u32 $0x1, s1  }
0x4: {  	s18 =	sshll.u32 s0, $0xA;
	s2 =	sadd.s32 s3, s2  }
0x5: {  	s2 =	sadd.s32 s2, s18  }
0x6: {  	[smem:$0x3FC6] =	sst s2  }
0x7: {  	_ = 	snop  }
0x8: {  	s2 =	sld [smem:$0x3FD0];
	(tm) =	ssettm $0x1  }
0x9: {  	s19 =	sld [smem:$0x3FFB];
	_ =	sdelay $0x3  }
0xa: {  	_ =	strace s19  }
0xb: {  	s3 =	sld [smem:$0x3FFC];
	_ =	sdelay $0x3  }
0xc: {  	_ =	strace s3  }
0xd: {  	s3 =	sld [smem:$0x3FFD];
	_ =	sdelay $0x3  }
0xe: {  	_ =	strace s3  }
0xf: {  	_ =	strace $0x8FFFFFFF  }
0x10: {  	s20 =	sld [smem:$0x3FDB];
	_ =	sdelay $0x1  }
0x11: {  	s4 =	simm.s32 $_scs_section_size  }
0x12: {  	s5 =	simm.s32 $_size__tile_overlayer_lowered;
	s6 =	simm.s32 $_tile_overlayer_lowered  }
0x13: {  	s23 =	simm.s32 $0x1BFF;
	s22 =	sshll.u32 s6, $0x1;
	s3 =	sadd.s32 s4, s20  }
0x14: {  	s7 =	simm.s32 $0x0;
	s21 =	sshll.u32 s5, $0x1;
	s5 =	sadd.s32 s22, s3  }
0x15: {  	[timem:s7], [sflag:s23] =	dma.local [hbm:s5], s21  }
0x16: {  	_ =	swait.ge [sflag:s23], s21  }
0x17: {  	s4 =	ssub.s32 $0x0, s21;
	[sflag:s23] =	ssyncset.done $0x0  }
0x18: {  	[sflag:s23] =	ssyncadd.s32 s4;
	_ =	sdelay $0x1  }
0x19: {  	s24 =	simm.s32 $0x1B8B  }
0x1a: {  	_ =	swait.ge [sflag:s24], $0x1  }
0x1b: {  	[sflag:s24] =	ssyncset.done $0x0  }
0x1c: {  	s26 =	simm.s32 $0x1B8E;
	s25 =	sld [smem:$0x3FFE];
	[sflag:s24] =	ssyncadd.s32 $0xFFFFFFFF  }
0x1d: {  	s27 =	simm.s32 $execute0_lowered;
	[smem:$0x3FD2] =	sst s26  }
0x1e: {  	s5 =	sshll.u32 s27, $0x1;
	_ =	strace $0x80000049;
	[dreg:$0x1] =	wrdreg $0xFFFFFFFF  }
0x1f: {  	s28 =	simm.s32 $_size_execute0_lowered;
	s3 =	sadd.s32 s3, s5;
	[dreg:$0x0] =	wrdreg $0x0  }
0x20: {  	s5 =	sshll.u32 s28, $0x1;
	[dreg:$0x2] =	wrdreg s3  }
0x21: {  	[dreg:$0x3] =	wrdreg s5  }
0x22: {  	[dreg:$0x4] =	wrdreg $0xC0  }
0x23: {  	_ =	task [dreg:s7], $0x5FFFF  }
0x24: {  	[dreg:$0x1] =	wrdreg $0xFFFFFFFF  }
0x25: {  	[dreg:$0x0] =	wrdreg $0x60  }
0x26: {  	[dreg:$0x2] =	wrdreg s25  }
0x27: {  	[dreg:$0x3] =	wrdreg s2  }
0x28: {  	[dreg:$0x4] =	wrdreg $0x9  }
0x29: {  	_ =	task.clear_ibuf [dreg:s7], $0x5FFFF;
	_ =	strace $0x90000049  }
0x2a: {  	s29 =	simm.s32 $0x9;
	_ =	strace $0x8000004B  }
0x2b: {  	_ =	swait.ge [sflag:s29], $0x1  }
0x2c: {  	[sflag:s29] =	ssyncadd.s32 $0xFFFFFFFF  }
0x2d: {  	_ =	strace $0x9000004B  }
0x2e: {  	_ =	sfence  }
0x2f: {  	s30 =	sld [smem:$0x0];
	_ =	sdelay $0x2  }
0x30: {  	s31 =	sshll.u32 s1, $0xD;
	s1 =	sshrl.u32 s1, $0x2  }
0x31: {  	s3 =	sand.u32 $0x4000, s31;
	s1 =	sadd.s32 s1, s30  }
0x32: {  	s0 =	sor.u32 s3, s0;
	s1 =	sshll.u32 s1, $0x11  }
0x33: {  	s0 =	sor.u32 s1, s0  }
0x34: {  	s0 =	sadd.s32 $0x8F2B, s0  }
0x35: {  	[sflag:s0] =	ssyncadd.remote.s32 $0x1  }
0x36: {  	_ =	sfence.sel $0xFFFF  }
0x37: {  	[dreg:$0x0] =	wrdreg $0xFFFFFFFF;
	(pc) =	sbr.abs _section_cstart, $3  }
0x38: {  	[dreg:$0x1] =	wrdreg $0xFFFFFFFF  }
0x39: {  	_ =	task.clear_ibuf [dreg:s7], $0x2FFFF;
	_ =	strace $0x9FFFFFFF  }
0x3a: {  	(tm) =	ssettm $0x7FFFFFFF  }
0x3b: {  	_ =	shalt  }
tec
execute0_lowered:
.L_overlay_start_1:
0x0: {  	(tag) =	ssettag $0x1  }
0x1: {  	s0 =	srdreg.scid  }
0x2: {  	s1 =	sshll.u32 s0, $0x4  }
0x3: {  	s0 =	stileid.u32;
	s1 =	sand.u32 $0x10, s1  }
0x4: {  	s1 =	sor.u32 s0, s1  }
0x5: {  	s6 =	rddreg [dreg:$0x0];
	s4 =	simm.s32 $0x1;
	s2 =	sshll.u32 s1, $0x7  }
0x6: {  	s7 =	simm.s32 $0x2;
	s12 =	simm.s32 $0x0;
	s1 =	ssub.s32 $0x1000, s2  }
0x7: {  	s8 =	simm.s32 $0x8000;
	s13 =	simm.s32 $0x0;
	s3 =	sand.u32 $0xF80, s1  }
0x8: {  	s9 =	simm.s32 $0x0;
	s5 =	sshrl.u32 s1, $0xC;
	p0 =	sne.s32 s3, $0x0  }
.Ltmp0:
0x9: {  	s1 =	rddreg [dreg:$0x2];
	s4 =	simm.s32 @!p0 $0x0;
	(pc) =	sbr.rel .LBB1_1-.Ltmp0, $4  }
0xa: {  	s11 =	simm.s32 $0x0;
	s3 =	rddreg [dreg:$0x1];
	s5 =	sadd.s32 s4, s5  }
0xb: {  	_ =	strace $0x8000004A;
	s4 =	simm.s32 $0x1;
	s5 =	smul.u32 $0xC8, s5  }
0xc: {  	s6 =	sadd.s32 $0xC00, s6;
	s10 =	smov.u32 s2;
	[sflag:s4] =	ssyncpa.u1 $0x0  }
0xd: {  	p0 =	por $0x0, $0x0;
	[sflag:s7] =	ssyncpa.u1 $0x0;
	s7 =	sor.u32 $0x1, s5  }
.LBB1_4:
0xe: {  	s16 =	sshll.u32 s13, $0x3;
	s17 =	sand.u32 $0x78, s13  }
0xf: {  	s30 =	sand.u32 $0x7E00, s13;
	s12 =	sshll.u32 s12, $0xF;
	s16 =	sand.u32 $0xC00, s16  }
0x10: {  	[tilespmem:s15+$0x810 ss:$0x81] =	vst.msk $0xffff, v2;
	s31 =	sand.u32 $0x7, s13;
	s16 =	sor.u32 s17, s16;
	s17 =	sadd.s32 s3, s30  }
0x11: {  	[tilespmem:s15+$0x1020 ss:$0x81] =	vst.msk $0xffff, v0;
	s13 =	sshll.u32 s31, $0x12;
	s12 =	sadd.s32 s12, s17;
	s16 =	sshrl.u32 s16, $0x3  }
0x12: {  	[tilespmem:s15+$0x0 ss:$0x81] =	vst.msk $0xffff, v1;
	s13 =	sor.u32 $0x400, s13;
	s12 =	sadd.s32 s16, s12  }
0x13: {  	[hbm4b:s12+s13] =	stream.strided.scatter [tilespmem:s14], [sflag:$0x2], $0x2000, s8, s13, $0x20;
	[tilespmem:$0x8080] =	vst v63  }
.LBB1_5:
0x14: {  	s14 =	sadd.s32 $0x1, s9  }
0x15: {  	s12 =	sadd.s32 $0x1000, s10;
	s16 =	smov.u32 s10;
	p2 =	sgt.s32 s14, $0xC7  }
0x16: {  	s16 =	smov.u32 @p2 s12  }
0x17: {  	s14 =	simm.s32 @p2 $0x0;
	p2 =	sgt.s32 s16, $0xFFF  }
0x18: {  	s16 =	smov.u32 @p2 s2;
	p2 =	sne.s32 s11, s7  }
.Ltmp1:
0x19: {  	p1 =	slt.u32 s11, $0x2;
	(pc) =	sbr.rel @!p2 .LBB1_6-.Ltmp1, $4  }
0x1a: {  	s15 =	simm.s32 @!p1 $0x2  }
0x1b: {  	s13 =	smov.u32 s10;
	p0 =	por !p0, !p0;
	_ =	swait.ge @!p1 [sflag:s15], $0x2000  }
0x1c: {  	s12 =	smov.u32 s9;
	[sflag:s15] =	ssyncset.done @!p1 $0x0;
	s9 =	smov.u32 s14  }
0x1d: {  	s11 =	sadd.s32 $0x1, s11;
	[sflag:s15] =	ssyncadd.s32 @!p1 $0xFFFFE000;
	s10 =	smov.u32 s16  }
.LBB1_1:
0x1e: {  	p1 =	sge.u32 s11, s5  }
0x1f: {  	s14 =	sand.u32 @!p1 $0x1FFFFFF, s9  }
0x20: {  	s15 =	smulhi.u32 @!p1 $0x147AE15, s14;
	_ =	sdelay $0x1  }
0x21: {  	s15 =	smul.u32 @!p1 $0xC8, s15  }
0x22: {  	s16 =	sxor.u32 @!p1 $0xFFFFFFFF, s11;
	s17 =	smul.u32 @!p1 $0xC80, s10  }
0x23: {  	s31 =	sadd.s32 $0xFFFFFFFF, s11;
	s16 =	sshll.u32 @!p1 s16, $0xD;
	s14 =	ssub.s32 @!p1 s14, s15  }
0x24: {  	s15 =	sand.u32 @!p1 $0x2000, s16;
	s16 =	sadd.s32 @!p1 s6, s17;
	s14 =	sshll.u32 @!p1 s14, $0x4  }
0x25: {  	s17 =	simm.s32 @!p1 $0x6400;
	s14 =	sadd.s32 @!p1 s14, s16;
	s16 =	simm.s32 @!p1 $0x40  }
0x26: {  	[tilespmem:s15], [sflag:$0x1] =	stream.strided.gather @!p1 [hbm4b:s14+s16], $0x2000, s17, s16, $0x38;
	[tilespmem:$0x8080] =	vst v63  }
0x27: {  	p1 =	sge.u32 s31, s5  }
.Ltmp2:
0x28: {  	_ = 	snop;
	(pc) =	sbr.rel @p1 .LBB1_5-.Ltmp2, $1  }
0x29: {  	_ =	sdelay $0x3  }
0x2a: {  	s14 =	simm.s32 $0x1  }
0x2b: {  	_ =	swait.ge [sflag:s4], $0x2000;
	s14 =	simm.s32 @!p0 $0x0  }
0x2c: {  	[sflag:s4] =	ssyncset.done $0x0;
	s15 =	sshll.u32 s14, $0xD  }
0x2d: {  	[sflag:s4] =	ssyncadd.s32 $0xFFFFE000;
	s18 =	sor.u32 $0x20, s15  }
0x2e: {  	s14 =	smul.u32 $0x8100, s14;
	v3 =	vld [tilespmem:s18+$0x10]  }
0x2f: {  	s30 =	sand.u32 $0x1, s11;
	v2 =	vld [tilespmem:s18+$0xFFFFFFF0]  }
0x30: {  	s15 =	smul.u32 $0x8100, s30;
	s14 =	sshrl.u32 s14, $0x2;
	v0 =	vld [tilespmem:s18+$0x0]  }
0x31: {  	v1 =	vld [tilespmem:s18+$0xFFFFFFE0];
	s16 =	sor.u32 $0x4000, s14  }
0x32: {  	s31 =	sshrl.u32 s15, $0x2;
	s15 =	sadd.s32 $0x0, s16  }
0x33: {  	s17 =	simm.s32 $0x4;
	s18 =	sadd.s32 $0x40, s18;
	s14 =	sor.u32 $0x4000, s31;
	[tilespmem:s15+$0x1830 ss:$0x81] =	vst.msk $0xffff, v3  }
.LBB1_3:
0x34: {  	v3 =	vld [tilespmem:s18+$0x10];
	p1 =	sne.s32 s17, $0x1FC;
	[tilespmem:s15+$0x810 ss:$0x81] =	vst.msk $0xffff, v2;
	s19 =	smov.u32 s17;
	s17 =	sadd.s32 $0x4, s17  }
.Ltmp3:
0x35: {  	v2 =	vld [tilespmem:s18+$0xFFFFFFF0];
	[tilespmem:s15+$0x1020 ss:$0x81] =	vst.msk $0xffff, v0;
	(pc) =	sbr.rel @p1 .LBB1_3-.Ltmp3, $4  }
0x36: {  	v0 =	vld [tilespmem:s18+$0x0];
	[tilespmem:s15+$0x0 ss:$0x81] =	vst.msk $0xffff, v1  }
0x37: {  	s15 =	sshra.s32 s19, $0x2;
	v1 =	vld [tilespmem:s18+$0xFFFFFFE0]  }
0x38: {  	s15 =	sadd.s32 s15, s16  }
0x39: {  	s18 =	sadd.s32 $0x40, s18;
	[tilespmem:s15+$0x1830 ss:$0x81] =	vst.msk $0xffff, v3  }
.Ltmp4:
0x3a: {  	_ = 	snop;
	(pc) =	sbr.rel .LBB1_4-.Ltmp4, $1  }
0x3b: {  	_ =	sdelay $0x3  }
.LBB1_6:
0x3c: {  	_ =	sfence.sel $0x180000  }
0x3d: {  	s2 =	simm.s32 $0x1;
	[bflag:$0x0] =	sbarrier.arrive $0xFFFF  }
0x3e: {  	s31 =	simm.s32 $0x2;
	[sflag:s2] =	ssyncpa.u1 $0x1  }
0x3f: {  	[sflag:s31] =	ssyncpa.u1 $0x1  }
0x40: {  	p0 =	sne.s32 s0, $0x0;
	_ =	strace $0x9000004A  }
0x41: {  	s0 =	sadd.s32 @!p0 $0x100000, s1;
	[bflag:$0x2] =	sbarrier.arrive $0xFFFF  }
0x42: {  	[sflag:s0] =	ssyncadd.tile.s32 @!p0 $0x1;
	_ =	shalt  }
.Lfunc_end1:
_tile_overlayer_lowered:
.L_overlay_start_2:
0x43: {  	(tag) =	ssettag $0x2  }
0x44: {  	s0 =	rddreg [dreg:$0x0];
	s2 =	stileid.u32  }
0x45: {  	s1 =	rddreg [dreg:$0x1];
	p0 =	sne.s32 s2, $0x0  }
0x46: {  	s3 =	rddreg [dreg:$0x2];
	[bflag:$0x3] =	sbarrier.arrive $0xFFFF;
	s2 =	simm.s32 @!p0 $0x1C01  }
0x47: {  	[timem:s3], [sflag:s2] =	dma.local @!p0 [hbm:s0], s1  }
0x48: {  	s0 =	simm.s32 @!p0 $0x1  }
0x49: {  	_ =	swait.ge @!p0 [sflag:s0], s1  }
0x4a: {  	s1 =	ssub.s32 @!p0 $0x0, s1;
	[sflag:s0] =	ssyncset.done @!p0 $0x0  }
0x4b: {  	[sflag:s0] =	ssyncadd.s32 @!p0 s1  }
0x4c: {  	[bflag:$0x3] =	sbarrier.arrive $0xFFFF  }
0x4d: {  	_ =	shalt  }

</sc_bundles>
